<compile_context>
chip_gen: v7x
topology: tpu7x:2x2x1
jax: 0.10.2.dev20260603
libtpu: 0.0.44.dev20260713+nightly
codegen_flags: <defaults>
</compile_context>

<pallas_src>
import functools

import jax
import jax.numpy as jnp
from jax import lax
from jax.experimental import pallas as pl
from jax.experimental.pallas import tpu as pltpu
from jax.experimental.pallas import tpu_sc as plsc

NC = 2
NS = 16
L = 16
NW = NC * NS

CR = 8


def _make_sc_permute(R: int, D: int):
    rows_per_w = R // NW
    n_chunks = rows_per_w // CR
    n_groups = D // L
    chunk_elems = CR * D

    mesh = plsc.VectorSubcoreMesh(
        core_axis_name="c", subcore_axis_name="s",
        num_cores=NC, num_subcores=NS,
    )

    @functools.partial(
        pl.kernel,
        out_type=jax.ShapeDtypeStruct((R * D,), jnp.float32),
        mesh=mesh,
        compiler_params=pltpu.CompilerParams(needs_layout_passes=False),
        scratch_types=[
            pltpu.VMEM((D,), jnp.int32),
            pltpu.VMEM((chunk_elems,), jnp.float32),
            pltpu.VMEM((chunk_elems,), jnp.float32),
            pltpu.VMEM((chunk_elems,), jnp.float32),
            pltpu.VMEM((chunk_elems,), jnp.float32),
            pltpu.SemaphoreType.DMA,
            pltpu.SemaphoreType.DMA,
            pltpu.SemaphoreType.DMA,
            pltpu.SemaphoreType.DMA,
        ],
    )
    def sc_permute(in_hbm, idx_hbm, out_hbm, idx_v,
                   in0, in1, out0, out1, si0, si1, so0, so1):
        wid = lax.axis_index("s") * NC + lax.axis_index("c")
        base = wid * rows_per_w * D
        ins, outs = (in0, in1), (out0, out1)
        sis, sos = (si0, si1), (so0, so1)

        pltpu.sync_copy(idx_hbm, idx_v)

        def start_in(c, b):
            pltpu.async_copy(
                in_hbm.at[pl.ds(base + c * chunk_elems, chunk_elems)],
                ins[b], sis[b])

        def wait_in(b):
            pltpu.make_async_copy(
                in_hbm.at[pl.ds(base, chunk_elems)], ins[b], sis[b]).wait()

        def start_out(c, b):
            pltpu.async_copy(
                outs[b],
                out_hbm.at[pl.ds(base + c * chunk_elems, chunk_elems)],
                sos[b])

        def wait_out(b):
            pltpu.make_async_copy(
                ins[b], out_hbm.at[pl.ds(base, chunk_elems)], sos[b]).wait()

        def compute(in_buf, out_buf):
            @plsc.parallel_loop(0, n_groups, step=1, unroll=2)
            def _(g):
                o = g * L
                col = idx_v[pl.ds(o, L)]
                vals = [plsc.load_gather(in_buf, [col + jnp.int32(r * D)])
                        for r in range(CR)]
                for r in range(CR):
                    out_buf[pl.ds(r * D + o, L)] = vals[r]

        start_in(0, 0)
        start_in(1, 1)

        def chunk_pair(i, _):
            for b in range(2):
                c = 2 * i + b
                wait_in(b)

                @pl.when(i >= 1)
                def _():
                    wait_out(b)

                compute(ins[b], outs[b])
                start_out(c, b)

                @pl.when(i < n_chunks // 2 - 1)
                def _():
                    start_in(c + 2, b)
            return 0

        lax.fori_loop(0, n_chunks // 2, chunk_pair, 0)
        wait_out(0)
        wait_out(1)

    return sc_permute


def kernel(inputs, idxs):
    B, S, D = inputs.shape
    R = B * S
    x = inputs.reshape(R * D)
    out = _make_sc_permute(R, D)(x, idxs)
    return out.reshape(B, S, D)

# --- scband reference (transcript-rebuilt; emitter-appended) ---
"""Pipeline reference for scband-permute-27711128994037 (READ-ONLY COPY).

The authoritative reference and input builder live on the scoring server;
editing this copy changes nothing except your own understanding.
"""

import jax, jax.numpy as jnp
import numpy as np

D = 2048

def setup_inputs(seed: int = 0) -> dict:
    key = jax.random.key(seed)
    k1, _ = jax.random.split(key)
    inputs = jax.random.normal(k1, (4, 4096, D), dtype=jnp.float32)
    # mode='reverse': non-trainable int32 'weight' idxs = [D-1, ..., 0]
    idxs = jnp.arange(D - 1, -1, -1, dtype=jnp.int32)
    return {"inputs": inputs, "idxs": idxs}

def reference(inputs, idxs):
    # Faithful translation of Permute.call:
    #   x = permute_dimensions(inputs, reversed axes)
    #   x = gather(x, idxs)  (gather along leading axis == original last axis)
    #   x = permute_dimensions(x, reversed axes)
    num_axis = inputs.ndim
    perm = tuple(range(num_axis))[::-1]
    xt = jnp.transpose(inputs, perm)
    gathered = jnp.take(xt, idxs, axis=0)
    out = jnp.transpose(gathered, perm)
    return out

if __name__ == "__main__":
    import jax
    _d = setup_inputs()
    print(jax.jit(kernel)(*tuple(_d.values())))

</pallas_src>

<mosaic_0001>
#map = affine_map<(d0, d1) -> (0)>
module attributes {stable_mosaic.version = 14 : i64} {
  func.func @sc_permute(%arg0: i32, %arg1: i32, %arg2: memref<33554432xf32, #tpu.memory_space<hbm>>, %arg3: memref<2048xi32, #tpu.memory_space<hbm>>, %arg4: memref<33554432xf32, #tpu.memory_space<hbm>>, %arg5: memref<2048xi32, #tpu.memory_space<vmem>>, %arg6: memref<16384xf32, #tpu.memory_space<vmem>>, %arg7: memref<16384xf32, #tpu.memory_space<vmem>>, %arg8: memref<16384xf32, #tpu.memory_space<vmem>>, %arg9: memref<16384xf32, #tpu.memory_space<vmem>>, %arg10: memref<!tpu.dma_semaphore, #tpu.memory_space<semaphore_mem>>, %arg11: memref<!tpu.dma_semaphore, #tpu.memory_space<semaphore_mem>>, %arg12: memref<!tpu.dma_semaphore, #tpu.memory_space<semaphore_mem>>, %arg13: memref<!tpu.dma_semaphore, #tpu.memory_space<semaphore_mem>>) attributes {dimension_semantics = [#tpu.dimension_semantics<core_parallel>, #tpu.dimension_semantics<subcore_parallel>], iteration_bounds = array<i64: 2, 16>, scalar_prefetch = 0 : i64, scratch_operands = 9 : i64, tpu.core_type = #tpu.core_type<sc_vector_subcore>, window_params = [{transform_indices = #map}, {transform_indices = #map}, {transform_indices = #map}]} {
    %mul3A = arith.constant 2 : i32
    %mul3A_0 = arith.muli %arg1, %mul3A : i32
    %add3A = arith.addi %mul3A_0, %arg0 : i32
    %mul3A_1 = arith.constant 512 : i32
    %mul3A_2 = arith.muli %add3A, %mul3A_1 : i32
    %mul3A_3 = arith.constant 2048 : i32
    %mul3A_4 = arith.muli %mul3A_2, %mul3A_3 : i32
    "tpu.region"() ({
      %run_scoped3A = tpu.sem_alloc : memref<!tpu.dma_semaphore, #tpu.memory_space<semaphore_mem>>
      tpu.enqueue_dma source(%arg3 : memref<2048xi32, #tpu.memory_space<hbm>>) target(%arg5 : memref<2048xi32, #tpu.memory_space<vmem>>) target_semaphore(%run_scoped3A : memref<!tpu.dma_semaphore, #tpu.memory_space<semaphore_mem>>)
      tpu.wait_dma2 semaphore(%run_scoped3A : memref<!tpu.dma_semaphore, #tpu.memory_space<semaphore_mem>>) src(%arg3 : memref<2048xi32, #tpu.memory_space<hbm>>) dst(%arg5 : memref<2048xi32, #tpu.memory_space<vmem>>)
      tpu.yield
    }) : () -> ()
    %add3A_5 = arith.constant 0 : i32
    %add3A_6 = arith.addi %mul3A_4, %add3A_5 : i32
    %dma_start3A = tpu.memref_slice %arg2[%add3A_6] : memref<33554432xf32, #tpu.memory_space<hbm>> -> memref<16384xf32, #tpu.memory_space<hbm>>
    %dma_start3A_7 = tpu.memref_slice %arg2[%add3A_6] : memref<33554432xf32, #tpu.memory_space<hbm>> -> memref<16384xf32, #tpu.memory_space<hbm>>
    tpu.enqueue_dma source(%dma_start3A_7 : memref<16384xf32, #tpu.memory_space<hbm>>) target(%arg6 : memref<16384xf32, #tpu.memory_space<vmem>>) target_semaphore(%arg10 : memref<!tpu.dma_semaphore, #tpu.memory_space<semaphore_mem>>)
    %add3A_8 = arith.constant 16384 : i32
    %add3A_9 = arith.addi %mul3A_4, %add3A_8 : i32
    %dma_start3A_10 = tpu.memref_slice %arg2[%add3A_9] : memref<33554432xf32, #tpu.memory_space<hbm>> -> memref<16384xf32, #tpu.memory_space<hbm>>
    %dma_start3A_11 = tpu.memref_slice %arg2[%add3A_9] : memref<33554432xf32, #tpu.memory_space<hbm>> -> memref<16384xf32, #tpu.memory_space<hbm>>
    tpu.enqueue_dma source(%dma_start3A_11 : memref<16384xf32, #tpu.memory_space<hbm>>) target(%arg7 : memref<16384xf32, #tpu.memory_space<vmem>>) target_semaphore(%arg11 : memref<!tpu.dma_semaphore, #tpu.memory_space<semaphore_mem>>)
    %scan3A = arith.constant 0 : i32
    %scan3A_12 = arith.constant 0 : i32
    %scan3A_13 = arith.constant 32 : i32
    %scan3A_14 = arith.addi %scan3A_12, %scan3A_13 : i32
    %scan3A_15 = arith.constant 1 : i32
    %scan3A_16 = scf.for %scan3A_21 = %scan3A_12 to %scan3A_14 step %scan3A_15 iter_args(%scan3A_22 = %scan3A) -> (i32)  : i32 {
      %mul3A_23 = arith.constant 2 : i32
      %mul3A_24 = arith.muli %mul3A_23, %scan3A_21 : i32
      %add3A_25 = arith.constant 0 : i32
      %add3A_26 = arith.addi %mul3A_24, %add3A_25 : i32
      %dma_wait3A_27 = tpu.memref_slice %arg2[%mul3A_4] : memref<33554432xf32, #tpu.memory_space<hbm>> -> memref<16384xf32, #tpu.memory_space<hbm>>
      %dma_wait3A_28 = tpu.memref_slice %arg2[%mul3A_4] : memref<33554432xf32, #tpu.memory_space<hbm>> -> memref<16384xf32, #tpu.memory_space<hbm>>
      tpu.wait_dma2 semaphore(%arg10 : memref<!tpu.dma_semaphore, #tpu.memory_space<semaphore_mem>>) src(%dma_wait3A_28 : memref<16384xf32, #tpu.memory_space<hbm>>) dst(%arg6 : memref<16384xf32, #tpu.memory_space<vmem>>)
      %ge3A = arith.constant 1 : i32
      %ge3A_29 = arith.cmpi sge, %scan3A_21, %ge3A : i32
      %convert_element_type3A = arith.extui %ge3A_29 : i1 to i32
      %cond3A = arith.constant 0 : i32
      %cond3A_30 = arith.cmpi ne, %convert_element_type3A, %cond3A : i32
      scf.if %cond3A_30 {
        %dma_wait3A_67 = tpu.memref_slice %arg4[%mul3A_4] : memref<33554432xf32, #tpu.memory_space<hbm>> -> memref<16384xf32, #tpu.memory_space<hbm>>
        %dma_wait3A_68 = tpu.memref_slice %arg4[%mul3A_4] : memref<33554432xf32, #tpu.memory_space<hbm>> -> memref<16384xf32, #tpu.memory_space<hbm>>
        tpu.wait_dma2 semaphore(%arg12 : memref<!tpu.dma_semaphore, #tpu.memory_space<semaphore_mem>>) src(%arg6 : memref<16384xf32, #tpu.memory_space<vmem>>) dst(%dma_wait3A_68 : memref<16384xf32, #tpu.memory_space<hbm>>)
      } else {
      }
      %parallel_loop3A = arith.constant 0 : i32
      %parallel_loop3A_31 = arith.constant 128 : i32
      %parallel_loop3A_32 = arith.constant 1 : i32
      scf.for %parallel_loop3A_67 = %parallel_loop3A to %parallel_loop3A_31 step %parallel_loop3A_32  : i32 {
        %parallel_loop3A_68 = arith.constant 16 : i32
        %parallel_loop3A_69 = arith.muli %parallel_loop3A_67, %parallel_loop3A_68 : i32
        %parallel_loop3A_70 = arith.index_cast %parallel_loop3A_69 : i32 to index
        %parallel_loop3A_71 = tpu.vector_load %arg5[%parallel_loop3A_70] {strides = array<i32>} : memref<2048xi32, #tpu.memory_space<vmem>>, vector<16xi32>,
        %parallel_loop3A_72 = arith.constant 0 : i32
        %parallel_loop3A_73 = vector.broadcast %parallel_loop3A_72 : i32 to vector<16xi32>
        %parallel_loop3A_74 = arith.addi %parallel_loop3A_71, %parallel_loop3A_73 : vector<16xi32>
        %parallel_loop3A_75 = tpu.vector_load_idx %arg6[%parallel_loop3A_74] : memref<16384xf32, #tpu.memory_space<vmem>>[vector<16xi32>], vector<16xf32>,
        %parallel_loop3A_76 = arith.constant 2048 : i32
        %parallel_loop3A_77 = vector.broadcast %parallel_loop3A_76 : i32 to vector<16xi32>
        %parallel_loop3A_78 = arith.addi %parallel_loop3A_71, %parallel_loop3A_77 : vector<16xi32>
        %parallel_loop3A_79 = tpu.vector_load_idx %arg6[%parallel_loop3A_78] : memref<16384xf32, #tpu.memory_space<vmem>>[vector<16xi32>], vector<16xf32>,
        %parallel_loop3A_80 = arith.constant 4096 : i32
        %parallel_loop3A_81 = vector.broadcast %parallel_loop3A_80 : i32 to vector<16xi32>
        %parallel_loop3A_82 = arith.addi %parallel_loop3A_71, %parallel_loop3A_81 : vector<16xi32>
        %parallel_loop3A_83 = tpu.vector_load_idx %arg6[%parallel_loop3A_82] : memref<16384xf32, #tpu.memory_space<vmem>>[vector<16xi32>], vector<16xf32>,
        %parallel_loop3A_84 = arith.constant 6144 : i32
        %parallel_loop3A_85 = vector.broadcast %parallel_loop3A_84 : i32 to vector<16xi32>
        %parallel_loop3A_86 = arith.addi %parallel_loop3A_71, %parallel_loop3A_85 : vector<16xi32>
        %parallel_loop3A_87 = tpu.vector_load_idx %arg6[%parallel_loop3A_86] : memref<16384xf32, #tpu.memory_space<vmem>>[vector<16xi32>], vector<16xf32>,
        %parallel_loop3A_88 = arith.constant 8192 : i32
        %parallel_loop3A_89 = vector.broadcast %parallel_loop3A_88 : i32 to vector<16xi32>
        %parallel_loop3A_90 = arith.addi %parallel_loop3A_71, %parallel_loop3A_89 : vector<16xi32>
        %parallel_loop3A_91 = tpu.vector_load_idx %arg6[%parallel_loop3A_90] : memref<16384xf32, #tpu.memory_space<vmem>>[vector<16xi32>], vector<16xf32>,
        %parallel_loop3A_92 = arith.constant 10240 : i32
        %parallel_loop3A_93 = vector.broadcast %parallel_loop3A_92 : i32 to vector<16xi32>
        %parallel_loop3A_94 = arith.addi %parallel_loop3A_71, %parallel_loop3A_93 : vector<16xi32>
        %parallel_loop3A_95 = tpu.vector_load_idx %arg6[%parallel_loop3A_94] : memref<16384xf32, #tpu.memory_space<vmem>>[vector<16xi32>], vector<16xf32>,
        %parallel_loop3A_96 = arith.constant 12288 : i32
        %parallel_loop3A_97 = vector.broadcast %parallel_loop3A_96 : i32 to vector<16xi32>
        %parallel_loop3A_98 = arith.addi %parallel_loop3A_71, %parallel_loop3A_97 : vector<16xi32>
        %parallel_loop3A_99 = tpu.vector_load_idx %arg6[%parallel_loop3A_98] : memref<16384xf32, #tpu.memory_space<vmem>>[vector<16xi32>], vector<16xf32>,
        %parallel_loop3A_100 = arith.constant 14336 : i32
        %parallel_loop3A_101 = vector.broadcast %parallel_loop3A_100 : i32 to vector<16xi32>
        %parallel_loop3A_102 = arith.addi %parallel_loop3A_71, %parallel_loop3A_101 : vector<16xi32>
        %parallel_loop3A_103 = tpu.vector_load_idx %arg6[%parallel_loop3A_102] : memref<16384xf32, #tpu.memory_space<vmem>>[vector<16xi32>], vector<16xf32>,
        %parallel_loop3A_104 = arith.constant 0 : i32
        %parallel_loop3A_105 = arith.addi %parallel_loop3A_104, %parallel_loop3A_69 : i32
        %parallel_loop3A_106 = arith.index_cast %parallel_loop3A_105 : i32 to index
        %parallel_loop3A_107 = tpu.vector_load %arg8[%parallel_loop3A_106] {strides = array<i32>} : memref<16384xf32, #tpu.memory_space<vmem>>, vector<16xf32>,
        tpu.vector_store %arg8[%parallel_loop3A_106], %parallel_loop3A_75 {strides = array<i32>} : memref<16384xf32, #tpu.memory_space<vmem>>, vector<16xf32>,
        %parallel_loop3A_108 = arith.constant 2048 : i32
        %parallel_loop3A_109 = arith.addi %parallel_loop3A_108, %parallel_loop3A_69 : i32
        %parallel_loop3A_110 = arith.index_cast %parallel_loop3A_109 : i32 to index
        %parallel_loop3A_111 = tpu.vector_load %arg8[%parallel_loop3A_110] {strides = array<i32>} : memref<16384xf32, #tpu.memory_space<vmem>>, vector<16xf32>,
        tpu.vector_store %arg8[%parallel_loop3A_110], %parallel_loop3A_79 {strides = array<i32>} : memref<16384xf32, #tpu.memory_space<vmem>>, vector<16xf32>,
        %parallel_loop3A_112 = arith.constant 4096 : i32
        %parallel_loop3A_113 = arith.addi %parallel_loop3A_112, %parallel_loop3A_69 : i32
        %parallel_loop3A_114 = arith.index_cast %parallel_loop3A_113 : i32 to index
        %parallel_loop3A_115 = tpu.vector_load %arg8[%parallel_loop3A_114] {strides = array<i32>} : memref<16384xf32, #tpu.memory_space<vmem>>, vector<16xf32>,
        tpu.vector_store %arg8[%parallel_loop3A_114], %parallel_loop3A_83 {strides = array<i32>} : memref<16384xf32, #tpu.memory_space<vmem>>, vector<16xf32>,
        %parallel_loop3A_116 = arith.constant 6144 : i32
        %parallel_loop3A_117 = arith.addi %parallel_loop3A_116, %parallel_loop3A_69 : i32
        %parallel_loop3A_118 = arith.index_cast %parallel_loop3A_117 : i32 to index
        %parallel_loop3A_119 = tpu.vector_load %arg8[%parallel_loop3A_118] {strides = array<i32>} : memref<16384xf32, #tpu.memory_space<vmem>>, vector<16xf32>,
        tpu.vector_store %arg8[%parallel_loop3A_118], %parallel_loop3A_87 {strides = array<i32>} : memref<16384xf32, #tpu.memory_space<vmem>>, vector<16xf32>,
        %parallel_loop3A_120 = arith.constant 8192 : i32
        %parallel_loop3A_121 = arith.addi %parallel_loop3A_120, %parallel_loop3A_69 : i32
        %parallel_loop3A_122 = arith.index_cast %parallel_loop3A_121 : i32 to index
        %parallel_loop3A_123 = tpu.vector_load %arg8[%parallel_loop3A_122] {strides = array<i32>} : memref<16384xf32, #tpu.memory_space<vmem>>, vector<16xf32>,
        tpu.vector_store %arg8[%parallel_loop3A_122], %parallel_loop3A_91 {strides = array<i32>} : memref<16384xf32, #tpu.memory_space<vmem>>, vector<16xf32>,
        %parallel_loop3A_124 = arith.constant 10240 : i32
        %parallel_loop3A_125 = arith.addi %parallel_loop3A_124, %parallel_loop3A_69 : i32
        %parallel_loop3A_126 = arith.index_cast %parallel_loop3A_125 : i32 to index
        %parallel_loop3A_127 = tpu.vector_load %arg8[%parallel_loop3A_126] {strides = array<i32>} : memref<16384xf32, #tpu.memory_space<vmem>>, vector<16xf32>,
        tpu.vector_store %arg8[%parallel_loop3A_126], %parallel_loop3A_95 {strides = array<i32>} : memref<16384xf32, #tpu.memory_space<vmem>>, vector<16xf32>,
        %parallel_loop3A_128 = arith.constant 12288 : i32
        %parallel_loop3A_129 = arith.addi %parallel_loop3A_128, %parallel_loop3A_69 : i32
        %parallel_loop3A_130 = arith.index_cast %parallel_loop3A_129 : i32 to index
        %parallel_loop3A_131 = tpu.vector_load %arg8[%parallel_loop3A_130] {strides = array<i32>} : memref<16384xf32, #tpu.memory_space<vmem>>, vector<16xf32>,
        tpu.vector_store %arg8[%parallel_loop3A_130], %parallel_loop3A_99 {strides = array<i32>} : memref<16384xf32, #tpu.memory_space<vmem>>, vector<16xf32>,
        %parallel_loop3A_132 = arith.constant 14336 : i32
        %parallel_loop3A_133 = arith.addi %parallel_loop3A_132, %parallel_loop3A_69 : i32
        %parallel_loop3A_134 = arith.index_cast %parallel_loop3A_133 : i32 to index
        %parallel_loop3A_135 = tpu.vector_load %arg8[%parallel_loop3A_134] {strides = array<i32>} : memref<16384xf32, #tpu.memory_space<vmem>>, vector<16xf32>,
        tpu.vector_store %arg8[%parallel_loop3A_134], %parallel_loop3A_103 {strides = array<i32>} : memref<16384xf32, #tpu.memory_space<vmem>>, vector<16xf32>,
      } {sc.loop_unroll_factor = 2 : i64, sc.parallel_access}
      %mul3A_33 = arith.constant 16384 : i32
      %mul3A_34 = arith.muli %add3A_26, %mul3A_33 : i32
      %add3A_35 = arith.addi %mul3A_4, %mul3A_34 : i32
      %dma_start3A_36 = tpu.memref_slice %arg4[%add3A_35] : memref<33554432xf32, #tpu.memory_space<hbm>> -> memref<16384xf32, #tpu.memory_space<hbm>>
      %dma_start3A_37 = tpu.memref_slice %arg4[%add3A_35] : memref<33554432xf32, #tpu.memory_space<hbm>> -> memref<16384xf32, #tpu.memory_space<hbm>>
      tpu.enqueue_dma source(%arg8 : memref<16384xf32, #tpu.memory_space<vmem>>) target(%dma_start3A_37 : memref<16384xf32, #tpu.memory_space<hbm>>) target_semaphore(%arg12 : memref<!tpu.dma_semaphore, #tpu.memory_space<semaphore_mem>>)
      %lt3A = arith.constant 31 : i32
      %lt3A_38 = arith.cmpi slt, %scan3A_21, %lt3A : i32
      %convert_element_type3A_39 = arith.extui %lt3A_38 : i1 to i32
      %cond3A_40 = arith.constant 0 : i32
      %cond3A_41 = arith.cmpi ne, %convert_element_type3A_39, %cond3A_40 : i32
      scf.if %cond3A_41 {
        %add3A_67 = arith.constant 2 : i32
        %add3A_68 = arith.addi %add3A_26, %add3A_67 : i32
        %mul3A_69 = arith.constant 16384 : i32
        %mul3A_70 = arith.muli %add3A_68, %mul3A_69 : i32
        %add3A_71 = arith.addi %mul3A_4, %mul3A_70 : i32
        %dma_start3A_72 = tpu.memref_slice %arg2[%add3A_71] : memref<33554432xf32, #tpu.memory_space<hbm>> -> memref<16384xf32, #tpu.memory_space<hbm>>
        %dma_start3A_73 = tpu.memref_slice %arg2[%add3A_71] : memref<33554432xf32, #tpu.memory_space<hbm>> -> memref<16384xf32, #tpu.memory_space<hbm>>
        tpu.enqueue_dma source(%dma_start3A_73 : memref<16384xf32, #tpu.memory_space<hbm>>) target(%arg6 : memref<16384xf32, #tpu.memory_space<vmem>>) target_semaphore(%arg10 : memref<!tpu.dma_semaphore, #tpu.memory_space<semaphore_mem>>)
      } else {
      }
      %mul3A_42 = arith.constant 2 : i32
      %mul3A_43 = arith.muli %mul3A_42, %scan3A_21 : i32
      %add3A_44 = arith.constant 1 : i32
      %add3A_45 = arith.addi %mul3A_43, %add3A_44 : i32
      %dma_wait3A_46 = tpu.memref_slice %arg2[%mul3A_4] : memref<33554432xf32, #tpu.memory_space<hbm>> -> memref<16384xf32, #tpu.memory_space<hbm>>
      %dma_wait3A_47 = tpu.memref_slice %arg2[%mul3A_4] : memref<33554432xf32, #tpu.memory_space<hbm>> -> memref<16384xf32, #tpu.memory_space<hbm>>
      tpu.wait_dma2 semaphore(%arg11 : memref<!tpu.dma_semaphore, #tpu.memory_space<semaphore_mem>>) src(%dma_wait3A_47 : memref<16384xf32, #tpu.memory_space<hbm>>) dst(%arg7 : memref<16384xf32, #tpu.memory_space<vmem>>)
      %ge3A_48 = arith.constant 1 : i32
      %ge3A_49 = arith.cmpi sge, %scan3A_21, %ge3A_48 : i32
      %convert_element_type3A_50 = arith.extui %ge3A_49 : i1 to i32
      %cond3A_51 = arith.constant 0 : i32
      %cond3A_52 = arith.cmpi ne, %convert_element_type3A_50, %cond3A_51 : i32
      scf.if %cond3A_52 {
        %dma_wait3A_67 = tpu.memref_slice %arg4[%mul3A_4] : memref<33554432xf32, #tpu.memory_space<hbm>> -> memref<16384xf32, #tpu.memory_space<hbm>>
        %dma_wait3A_68 = tpu.memref_slice %arg4[%mul3A_4] : memref<33554432xf32, #tpu.memory_space<hbm>> -> memref<16384xf32, #tpu.memory_space<hbm>>
        tpu.wait_dma2 semaphore(%arg13 : memref<!tpu.dma_semaphore, #tpu.memory_space<semaphore_mem>>) src(%arg7 : memref<16384xf32, #tpu.memory_space<vmem>>) dst(%dma_wait3A_68 : memref<16384xf32, #tpu.memory_space<hbm>>)
      } else {
      }
      %parallel_loop3A_53 = arith.constant 0 : i32
      %parallel_loop3A_54 = arith.constant 128 : i32
      %parallel_loop3A_55 = arith.constant 1 : i32
      scf.for %parallel_loop3A_67 = %parallel_loop3A_53 to %parallel_loop3A_54 step %parallel_loop3A_55  : i32 {
        %parallel_loop3A_68 = arith.constant 16 : i32
        %parallel_loop3A_69 = arith.muli %parallel_loop3A_67, %parallel_loop3A_68 : i32
        %parallel_loop3A_70 = arith.index_cast %parallel_loop3A_69 : i32 to index
        %parallel_loop3A_71 = tpu.vector_load %arg5[%parallel_loop3A_70] {strides = array<i32>} : memref<2048xi32, #tpu.memory_space<vmem>>, vector<16xi32>,
        %parallel_loop3A_72 = arith.constant 0 : i32
        %parallel_loop3A_73 = vector.broadcast %parallel_loop3A_72 : i32 to vector<16xi32>
        %parallel_loop3A_74 = arith.addi %parallel_loop3A_71, %parallel_loop3A_73 : vector<16xi32>
        %parallel_loop3A_75 = tpu.vector_load_idx %arg7[%parallel_loop3A_74] : memref<16384xf32, #tpu.memory_space<vmem>>[vector<16xi32>], vector<16xf32>,
        %parallel_loop3A_76 = arith.constant 2048 : i32
        %parallel_loop3A_77 = vector.broadcast %parallel_loop3A_76 : i32 to vector<16xi32>
        %parallel_loop3A_78 = arith.addi %parallel_loop3A_71, %parallel_loop3A_77 : vector<16xi32>
        %parallel_loop3A_79 = tpu.vector_load_idx %arg7[%parallel_loop3A_78] : memref<16384xf32, #tpu.memory_space<vmem>>[vector<16xi32>], vector<16xf32>,
        %parallel_loop3A_80 = arith.constant 4096 : i32
        %parallel_loop3A_81 = vector.broadcast %parallel_loop3A_80 : i32 to vector<16xi32>
        %parallel_loop3A_82 = arith.addi %parallel_loop3A_71, %parallel_loop3A_81 : vector<16xi32>
        %parallel_loop3A_83 = tpu.vector_load_idx %arg7[%parallel_loop3A_82] : memref<16384xf32, #tpu.memory_space<vmem>>[vector<16xi32>], vector<16xf32>,
        %parallel_loop3A_84 = arith.constant 6144 : i32
        %parallel_loop3A_85 = vector.broadcast %parallel_loop3A_84 : i32 to vector<16xi32>
        %parallel_loop3A_86 = arith.addi %parallel_loop3A_71, %parallel_loop3A_85 : vector<16xi32>
        %parallel_loop3A_87 = tpu.vector_load_idx %arg7[%parallel_loop3A_86] : memref<16384xf32, #tpu.memory_space<vmem>>[vector<16xi32>], vector<16xf32>,
        %parallel_loop3A_88 = arith.constant 8192 : i32
        %parallel_loop3A_89 = vector.broadcast %parallel_loop3A_88 : i32 to vector<16xi32>
        %parallel_loop3A_90 = arith.addi %parallel_loop3A_71, %parallel_loop3A_89 : vector<16xi32>
        %parallel_loop3A_91 = tpu.vector_load_idx %arg7[%parallel_loop3A_90] : memref<16384xf32, #tpu.memory_space<vmem>>[vector<16xi32>], vector<16xf32>,
        %parallel_loop3A_92 = arith.constant 10240 : i32
        %parallel_loop3A_93 = vector.broadcast %parallel_loop3A_92 : i32 to vector<16xi32>
        %parallel_loop3A_94 = arith.addi %parallel_loop3A_71, %parallel_loop3A_93 : vector<16xi32>
        %parallel_loop3A_95 = tpu.vector_load_idx %arg7[%parallel_loop3A_94] : memref<16384xf32, #tpu.memory_space<vmem>>[vector<16xi32>], vector<16xf32>,
        %parallel_loop3A_96 = arith.constant 12288 : i32
        %parallel_loop3A_97 = vector.broadcast %parallel_loop3A_96 : i32 to vector<16xi32>
        %parallel_loop3A_98 = arith.addi %parallel_loop3A_71, %parallel_loop3A_97 : vector<16xi32>
        %parallel_loop3A_99 = tpu.vector_load_idx %arg7[%parallel_loop3A_98] : memref<16384xf32, #tpu.memory_space<vmem>>[vector<16xi32>], vector<16xf32>,
        %parallel_loop3A_100 = arith.constant 14336 : i32
        %parallel_loop3A_101 = vector.broadcast %parallel_loop3A_100 : i32 to vector<16xi32>
        %parallel_loop3A_102 = arith.addi %parallel_loop3A_71, %parallel_loop3A_101 : vector<16xi32>
        %parallel_loop3A_103 = tpu.vector_load_idx %arg7[%parallel_loop3A_102] : memref<16384xf32, #tpu.memory_space<vmem>>[vector<16xi32>], vector<16xf32>,
        %parallel_loop3A_104 = arith.constant 0 : i32
        %parallel_loop3A_105 = arith.addi %parallel_loop3A_104, %parallel_loop3A_69 : i32
        %parallel_loop3A_106 = arith.index_cast %parallel_loop3A_105 : i32 to index
        %parallel_loop3A_107 = tpu.vector_load %arg9[%parallel_loop3A_106] {strides = array<i32>} : memref<16384xf32, #tpu.memory_space<vmem>>, vector<16xf32>,
        tpu.vector_store %arg9[%parallel_loop3A_106], %parallel_loop3A_75 {strides = array<i32>} : memref<16384xf32, #tpu.memory_space<vmem>>, vector<16xf32>,
        %parallel_loop3A_108 = arith.constant 2048 : i32
        %parallel_loop3A_109 = arith.addi %parallel_loop3A_108, %parallel_loop3A_69 : i32
        %parallel_loop3A_110 = arith.index_cast %parallel_loop3A_109 : i32 to index
        %parallel_loop3A_111 = tpu.vector_load %arg9[%parallel_loop3A_110] {strides = array<i32>} : memref<16384xf32, #tpu.memory_space<vmem>>, vector<16xf32>,
        tpu.vector_store %arg9[%parallel_loop3A_110], %parallel_loop3A_79 {strides = array<i32>} : memref<16384xf32, #tpu.memory_space<vmem>>, vector<16xf32>,
        %parallel_loop3A_112 = arith.constant 4096 : i32
        %parallel_loop3A_113 = arith.addi %parallel_loop3A_112, %parallel_loop3A_69 : i32
        %parallel_loop3A_114 = arith.index_cast %parallel_loop3A_113 : i32 to index
        %parallel_loop3A_115 = tpu.vector_load %arg9[%parallel_loop3A_114] {strides = array<i32>} : memref<16384xf32, #tpu.memory_space<vmem>>, vector<16xf32>,
        tpu.vector_store %arg9[%parallel_loop3A_114], %parallel_loop3A_83 {strides = array<i32>} : memref<16384xf32, #tpu.memory_space<vmem>>, vector<16xf32>,
        %parallel_loop3A_116 = arith.constant 6144 : i32
        %parallel_loop3A_117 = arith.addi %parallel_loop3A_116, %parallel_loop3A_69 : i32
        %parallel_loop3A_118 = arith.index_cast %parallel_loop3A_117 : i32 to index
        %parallel_loop3A_119 = tpu.vector_load %arg9[%parallel_loop3A_118] {strides = array<i32>} : memref<16384xf32, #tpu.memory_space<vmem>>, vector<16xf32>,
        tpu.vector_store %arg9[%parallel_loop3A_118], %parallel_loop3A_87 {strides = array<i32>} : memref<16384xf32, #tpu.memory_space<vmem>>, vector<16xf32>,
        %parallel_loop3A_120 = arith.constant 8192 : i32
        %parallel_loop3A_121 = arith.addi %parallel_loop3A_120, %parallel_loop3A_69 : i32
        %parallel_loop3A_122 = arith.index_cast %parallel_loop3A_121 : i32 to index
        %parallel_loop3A_123 = tpu.vector_load %arg9[%parallel_loop3A_122] {strides = array<i32>} : memref<16384xf32, #tpu.memory_space<vmem>>, vector<16xf32>,
        tpu.vector_store %arg9[%parallel_loop3A_122], %parallel_loop3A_91 {strides = array<i32>} : memref<16384xf32, #tpu.memory_space<vmem>>, vector<16xf32>,
        %parallel_loop3A_124 = arith.constant 10240 : i32
        %parallel_loop3A_125 = arith.addi %parallel_loop3A_124, %parallel_loop3A_69 : i32
        %parallel_loop3A_126 = arith.index_cast %parallel_loop3A_125 : i32 to index
        %parallel_loop3A_127 = tpu.vector_load %arg9[%parallel_loop3A_126] {strides = array<i32>} : memref<16384xf32, #tpu.memory_space<vmem>>, vector<16xf32>,
        tpu.vector_store %arg9[%parallel_loop3A_126], %parallel_loop3A_95 {strides = array<i32>} : memref<16384xf32, #tpu.memory_space<vmem>>, vector<16xf32>,
        %parallel_loop3A_128 = arith.constant 12288 : i32
        %parallel_loop3A_129 = arith.addi %parallel_loop3A_128, %parallel_loop3A_69 : i32
        %parallel_loop3A_130 = arith.index_cast %parallel_loop3A_129 : i32 to index
        %parallel_loop3A_131 = tpu.vector_load %arg9[%parallel_loop3A_130] {strides = array<i32>} : memref<16384xf32, #tpu.memory_space<vmem>>, vector<16xf32>,
        tpu.vector_store %arg9[%parallel_loop3A_130], %parallel_loop3A_99 {strides = array<i32>} : memref<16384xf32, #tpu.memory_space<vmem>>, vector<16xf32>,
        %parallel_loop3A_132 = arith.constant 14336 : i32
        %parallel_loop3A_133 = arith.addi %parallel_loop3A_132, %parallel_loop3A_69 : i32
        %parallel_loop3A_134 = arith.index_cast %parallel_loop3A_133 : i32 to index
        %parallel_loop3A_135 = tpu.vector_load %arg9[%parallel_loop3A_134] {strides = array<i32>} : memref<16384xf32, #tpu.memory_space<vmem>>, vector<16xf32>,
        tpu.vector_store %arg9[%parallel_loop3A_134], %parallel_loop3A_103 {strides = array<i32>} : memref<16384xf32, #tpu.memory_space<vmem>>, vector<16xf32>,
      } {sc.loop_unroll_factor = 2 : i64, sc.parallel_access}
      %mul3A_56 = arith.constant 16384 : i32
      %mul3A_57 = arith.muli %add3A_45, %mul3A_56 : i32
      %add3A_58 = arith.addi %mul3A_4, %mul3A_57 : i32
      %dma_start3A_59 = tpu.memref_slice %arg4[%add3A_58] : memref<33554432xf32, #tpu.memory_space<hbm>> -> memref<16384xf32, #tpu.memory_space<hbm>>
      %dma_start3A_60 = tpu.memref_slice %arg4[%add3A_58] : memref<33554432xf32, #tpu.memory_space<hbm>> -> memref<16384xf32, #tpu.memory_space<hbm>>
      tpu.enqueue_dma source(%arg9 : memref<16384xf32, #tpu.memory_space<vmem>>) target(%dma_start3A_60 : memref<16384xf32, #tpu.memory_space<hbm>>) target_semaphore(%arg13 : memref<!tpu.dma_semaphore, #tpu.memory_space<semaphore_mem>>)
      %lt3A_61 = arith.constant 31 : i32
      %lt3A_62 = arith.cmpi slt, %scan3A_21, %lt3A_61 : i32
      %convert_element_type3A_63 = arith.extui %lt3A_62 : i1 to i32
      %cond3A_64 = arith.constant 0 : i32
      %cond3A_65 = arith.cmpi ne, %convert_element_type3A_63, %cond3A_64 : i32
      scf.if %cond3A_65 {
        %add3A_67 = arith.constant 2 : i32
        %add3A_68 = arith.addi %add3A_45, %add3A_67 : i32
        %mul3A_69 = arith.constant 16384 : i32
        %mul3A_70 = arith.muli %add3A_68, %mul3A_69 : i32
        %add3A_71 = arith.addi %mul3A_4, %mul3A_70 : i32
        %dma_start3A_72 = tpu.memref_slice %arg2[%add3A_71] : memref<33554432xf32, #tpu.memory_space<hbm>> -> memref<16384xf32, #tpu.memory_space<hbm>>
        %dma_start3A_73 = tpu.memref_slice %arg2[%add3A_71] : memref<33554432xf32, #tpu.memory_space<hbm>> -> memref<16384xf32, #tpu.memory_space<hbm>>
        tpu.enqueue_dma source(%dma_start3A_73 : memref<16384xf32, #tpu.memory_space<hbm>>) target(%arg7 : memref<16384xf32, #tpu.memory_space<vmem>>) target_semaphore(%arg11 : memref<!tpu.dma_semaphore, #tpu.memory_space<semaphore_mem>>)
      } else {
      }
      %scan3A_66 = arith.constant 0 : i32
      scf.yield %scan3A_66 : i32
    }
    %scan3A_17 = arith.constant 32 : i32
    %dma_wait3A = tpu.memref_slice %arg4[%mul3A_4] : memref<33554432xf32, #tpu.memory_space<hbm>> -> memref<16384xf32, #tpu.memory_space<hbm>>
    %dma_wait3A_18 = tpu.memref_slice %arg4[%mul3A_4] : memref<33554432xf32, #tpu.memory_space<hbm>> -> memref<16384xf32, #tpu.memory_space<hbm>>
    tpu.wait_dma2 semaphore(%arg12 : memref<!tpu.dma_semaphore, #tpu.memory_space<semaphore_mem>>) src(%arg6 : memref<16384xf32, #tpu.memory_space<vmem>>) dst(%dma_wait3A_18 : memref<16384xf32, #tpu.memory_space<hbm>>)
    %dma_wait3A_19 = tpu.memref_slice %arg4[%mul3A_4] : memref<33554432xf32, #tpu.memory_space<hbm>> -> memref<16384xf32, #tpu.memory_space<hbm>>
    %dma_wait3A_20 = tpu.memref_slice %arg4[%mul3A_4] : memref<33554432xf32, #tpu.memory_space<hbm>> -> memref<16384xf32, #tpu.memory_space<hbm>>
    tpu.wait_dma2 semaphore(%arg13 : memref<!tpu.dma_semaphore, #tpu.memory_space<semaphore_mem>>) src(%arg7 : memref<16384xf32, #tpu.memory_space<vmem>>) dst(%dma_wait3A_20 : memref<16384xf32, #tpu.memory_space<hbm>>)
    return
  }
}

</mosaic_0001>

<sc_bundles>
// kernel: kernel.3.cloned.1.call-start
scs
__scs_entry_jumppad:
0x0: {  	(pc) =	sbr.rel $0x88, $3  }
0x1: {  	(tag) =	ssettag $0x0;
	lr =	simm.s32 $0x1  }
0x2: {  	[smem:$0x3F9F] =	sst lr;
	_ =	strace $0xD0000000  }
0x3: {  	_ = 	snop  }
0x4: {  	_ = 	snop  }
0x5: {  	_ = 	snop  }
0x6: {  	_ = 	snop  }
0x7: {  	_ = 	snop  }
__scs_overlays_trampoline_lowered:
0x8: {  	[smem:$0x3FAE] =	sst s0  }
0x9: {  	[smem:$0x3FAF] =	sst s1  }
0xa: {  	[smem:$0x3FB0] =	sst s2  }
0xb: {  	[smem:$0x3FB1] =	sst s3  }
0xc: {  	[smem:$0x3FB2] =	sst s4  }
0xd: {  	[smem:$0x3FB3] =	sst s5  }
0xe: {  	[smem:$0x3FB4] =	sst s6  }
0xf: {  	[smem:$0x3FB5] =	sst s7  }
0x10: {  	[smem:$0x3FB6] =	sst s8  }
0x11: {  	[smem:$0x3FB7] =	sst s9;
	s0 =	simm.s32 @!p0 $0x0  }
0x12: {  	s1 =	sld [smem:$0x3F9D];
	s0 =	simm.s32 @p0 $0x1  }
0x13: {  	[smem:$0x3FB8] =	sst s0;
	s0 =	simm.s32 @!p1 $0x0  }
0x14: {  	s2 =	sld [smem:$0x3F9C];
	s0 =	simm.s32 @p1 $0x1  }
0x15: {  	[smem:$0x3FB9] =	sst s0;
	s0 =	simm.s32 @!p2 $0x0  }
0x16: {  	s3 =	sld [smem:$0x3FDB];
	s0 =	simm.s32 @p2 $0x1  }
0x17: {  	s4 =	simm.s32 $0x1BF5;
	[smem:$0x3FBB] =	sst s0  }
0x18: {  	s0 =	sld [smem:$0x3F9E];
	_ =	swait.ge [sflag:s4], $0x0  }
0x19: {  	s7 =	sld [smem:$0x3F9F]  }
0x1a: {  	s8 =	sadd.s32 $0xFFFFE003, lr  }
0x1b: {  	s9 =	sadd.s32 $0xFFFFFEF7, lr;
	s5 =	simm.s32 $0xFFFFFFFF;
	p2 =	slt.u32 s8, $0xFFFFF086  }
0x1c: {  	p1 =	slt.u32 s9, $0xF7A;
	s5 =	simm.s32 @!p2 $0x0  }
0x1d: {  	s5 =	simm.s32 @p1 $0x1;
	p0 =	seq.s32 s7, s2  }
0x1e: {  	s7 =	smul.u32 @!p0 $0xF7A, s2;
	p2 =	seq.s32 @!p0 s5, $0x0  }
0x1f: {  	s9 =	smul.u32 $0xF7A, s1;
	s8 =	simm.s32 @!p0 $0x1BF5;
	p2 =	por !p2, p0  }
0x20: {  	[sflag:s8] =	ssyncset.s32 @!p0 $0xFFFFF086;
	s6 =	sadd.s32 @!p0 s3, s7;
	s7 =	simm.s32 @!p0 $0x108  }
0x21: {  	s3 =	sadd.s32 s3, s9;
	s6 =	sadd.s32 @!p0 $0x88, s6;
	s7 =	simm.s32 @p2 $0x1082  }
0x22: {  	[simem:s7], [sflag:s8] =	dma.local @!p0 [hbm:s6], $0xF7A  }
0x23: {  	s9 =	sor.u32 $0xD0000000, s2;
	s6 =	simm.s32 $0x108;
	_ =	swait.ge @!p0 [sflag:s8], $0x0  }
0x24: {  	s3 =	sadd.s32 $0x88, s3;
	s6 =	simm.s32 @!p1 $0x1082;
	[sflag:s4] =	ssyncset.s32 $0xFFFFF086  }
0x25: {  	[simem:s6], [sflag:s4] =	dma.local [hbm:s3], $0xF7A  }
0x26: {  	[smem:$0x3F9F] =	sst s1;
	(tag) =	ssettag s2;
	_ =	strace s9  }
0x27: {  	s1 =	sld [smem:$0x3FAF]  }
0x28: {  	s2 =	sld [smem:$0x3FB0]  }
0x29: {  	s4 =	sld [smem:$0x3FB2]  }
0x2a: {  	p0 =	seq.s32 s5, $0x0;
	s5 =	sld [smem:$0x3FB3]  }
0x2b: {  	s6 =	sld [smem:$0x3FB4]  }
0x2c: {  	s7 =	sld [smem:$0x3FB5]  }
0x2d: {  	s3 =	simm.s32 $0x108;
	s8 =	sld [smem:$0x3FB6]  }
0x2e: {  	s3 =	simm.s32 @!p0 $0x1082;
	s9 =	sld [smem:$0x3FB7]  }
0x2f: {  	lr =	sadd.s32 s0, s3;
	s0 =	sld [smem:$0x3FAE]  }
0x30: {  	s3 =	sld [smem:$0x3FB1]  }
0x31: {  	[smem:$0x3FBA] =	sst s10  }
0x32: {  	s10 =	sld [smem:$0x3FB8];
	_ =	sdelay $0x3  }
0x33: {  	p0 =	seq.s32 s10, $0x1;
	s10 =	sld [smem:$0x3FBA];
	_ =	sdelay $0x3  }
0x34: {  	[smem:$0x3FBA] =	sst s10  }
0x35: {  	s10 =	sld [smem:$0x3FB9];
	_ =	sdelay $0x3  }
0x36: {  	p1 =	seq.s32 s10, $0x1;
	s10 =	sld [smem:$0x3FBA];
	_ =	sdelay $0x3  }
0x37: {  	[smem:$0x3FBA] =	sst s10  }
0x38: {  	s10 =	sld [smem:$0x3FBB]  }
0x39: {  	_ = 	snop;
	(pc) =	sbr.ind lr, $3  }
0x3a: {  	_ = 	snop  }
0x3b: {  	_ = 	snop  }
0x3c: {  	p2 =	seq.s32 s10, $0x1;
	s10 =	sld [smem:$0x3FBA]  }
0x3d: {  	_ =	shalt  }
0x3e: {  	_ =	shalt  }
0x3f: {  	_ =	shalt  }
0x40: {  	_ =	shalt  }
0x41: {  	_ =	shalt  }
0x42: {  	_ =	shalt  }
0x43: {  	_ =	shalt  }
0x44: {  	_ =	shalt  }
0x45: {  	_ =	shalt  }
0x46: {  	_ =	shalt  }
0x47: {  	_ =	shalt  }
0x48: {  	_ =	shalt  }
0x49: {  	_ =	shalt  }
0x4a: {  	_ =	shalt  }
0x4b: {  	_ =	shalt  }
0x4c: {  	_ =	shalt  }
0x4d: {  	_ =	shalt  }
0x4e: {  	_ =	shalt  }
0x4f: {  	_ =	shalt  }
0x50: {  	_ =	shalt  }
0x51: {  	_ =	shalt  }
0x52: {  	_ =	shalt  }
0x53: {  	_ =	shalt  }
0x54: {  	_ =	shalt  }
0x55: {  	_ =	shalt  }
0x56: {  	_ =	shalt  }
0x57: {  	_ =	shalt  }
0x58: {  	_ =	shalt  }
0x59: {  	_ =	shalt  }
0x5a: {  	_ =	shalt  }
0x5b: {  	_ =	shalt  }
0x5c: {  	_ =	shalt  }
0x5d: {  	_ =	shalt  }
0x5e: {  	_ =	shalt  }
0x5f: {  	_ =	shalt  }
0x60: {  	_ =	shalt  }
0x61: {  	_ =	shalt  }
0x62: {  	_ =	shalt  }
0x63: {  	_ =	shalt  }
0x64: {  	_ =	shalt  }
0x65: {  	_ =	shalt  }
0x66: {  	_ =	shalt  }
0x67: {  	_ =	shalt  }
0x68: {  	_ =	shalt  }
0x69: {  	_ =	shalt  }
0x6a: {  	_ =	shalt  }
0x6b: {  	_ =	shalt  }
0x6c: {  	_ =	shalt  }
0x6d: {  	_ =	shalt  }
0x6e: {  	_ =	shalt  }
0x6f: {  	_ =	shalt  }
0x70: {  	_ =	shalt  }
0x71: {  	_ =	shalt  }
0x72: {  	_ =	shalt  }
0x73: {  	_ =	shalt  }
0x74: {  	_ =	shalt  }
0x75: {  	_ =	shalt  }
0x76: {  	_ =	shalt  }
0x77: {  	_ =	shalt  }
0x78: {  	_ =	shalt  }
0x79: {  	_ =	shalt  }
0x7a: {  	_ =	shalt  }
0x7b: {  	_ =	shalt  }
0x7c: {  	_ =	shalt  }
0x7d: {  	_ =	shalt  }
0x7e: {  	_ =	shalt  }
0x7f: {  	_ =	shalt  }
0x80: {  	_ =	shalt  }
0x81: {  	_ =	shalt  }
0x82: {  	_ =	shalt  }
0x83: {  	_ =	shalt  }
0x84: {  	_ =	shalt  }
0x85: {  	_ =	shalt  }
0x86: {  	_ =	shalt  }
0x87: {  	_ =	shalt  }
.Lfunc_end0:
.L_simem_size_0:
called_computation.1_lowered:
.L_overlay_start_0:
0x88: {  	s2 =	sld [smem:$0x3FD9]  }
0x89: {  	s3 =	sld [smem:$0x3FFE];
	_ =	sdelay $0x1  }
0x8a: {  	s1 =	srdreg.scid  }
0x8b: {  	s0 =	sand.u32 $0x1, s1  }
0x8c: {  	s17 =	sshll.u32 s0, $0xA;
	s2 =	sadd.s32 s3, s2  }
0x8d: {  	s2 =	sadd.s32 s2, s17  }
0x8e: {  	[smem:$0x3FC6] =	sst s2  }
0x8f: {  	_ = 	snop  }
0x90: {  	s2 =	sld [smem:$0x3FC8]  }
0x91: {  	s18 =	sld [smem:$0x3FD0];
	(tm) =	ssettm $0x1  }
0x92: {  	s4 =	sld [smem:$0x3FFB];
	_ =	sdelay $0x3  }
0x93: {  	_ =	strace s4  }
0x94: {  	s4 =	sld [smem:$0x3FFC];
	_ =	sdelay $0x3  }
0x95: {  	_ =	strace s4  }
0x96: {  	s4 =	sld [smem:$0x3FFD];
	_ =	sdelay $0x3  }
0x97: {  	_ =	strace s4  }
0x98: {  	_ =	strace $0x8FFFFFFF  }
0x99: {  	s19 =	sld [smem:$0x3FDB];
	_ =	sdelay $0x1  }
0x9a: {  	s5 =	simm.s32 $_scs_section_size  }
0x9b: {  	s6 =	simm.s32 $_size__tile_overlayer_lowered;
	s7 =	simm.s32 $_tile_overlayer_lowered  }
0x9c: {  	s22 =	simm.s32 $0x1BFF;
	s21 =	sshll.u32 s7, $0x1;
	s4 =	sadd.s32 s5, s19  }
0x9d: {  	s8 =	simm.s32 $0x0;
	s20 =	sshll.u32 s6, $0x1;
	s6 =	sadd.s32 s21, s4  }
0x9e: {  	[timem:s8], [sflag:s22] =	dma.local [hbm:s6], s20  }
0x9f: {  	_ =	swait.ge [sflag:s22], s20  }
0xa0: {  	s5 =	ssub.s32 $0x0, s20;
	[sflag:s22] =	ssyncset.done $0x0  }
0xa1: {  	[sflag:s22] =	ssyncadd.s32 s5;
	_ =	sdelay $0x1  }
0xa2: {  	s23 =	simm.s32 $0x1B8B  }
0xa3: {  	_ =	swait.ge [sflag:s23], $0x1  }
0xa4: {  	[sflag:s23] =	ssyncset.done $0x0  }
0xa5: {  	s25 =	simm.s32 $0x1B8E;
	s24 =	sld [smem:$0x3FFE];
	[sflag:s23] =	ssyncadd.s32 $0xFFFFFFFF  }
0xa6: {  	s26 =	simm.s32 $execute0_lowered;
	[smem:$0x3FD2] =	sst s25  }
0xa7: {  	s6 =	sshll.u32 s26, $0x1;
	_ =	strace $0x80000049;
	[dreg:$0x1] =	wrdreg $0xFFFFFFFF  }
0xa8: {  	s28 =	simm.s32 $_size_execute0_lowered;
	s4 =	sadd.s32 s4, s6;
	[dreg:$0x0] =	wrdreg $0x0  }
0xa9: {  	s6 =	sshll.u32 s28, $0x1;
	[dreg:$0x2] =	wrdreg s4  }
0xaa: {  	[dreg:$0x3] =	wrdreg s6  }
0xab: {  	[dreg:$0x4] =	wrdreg $0xC0  }
0xac: {  	_ =	task [dreg:s8], $0x5FFFF  }
0xad: {  	[dreg:$0x1] =	wrdreg $0xFFFFFFFF  }
0xae: {  	[dreg:$0x0] =	wrdreg $0x60  }
0xaf: {  	[dreg:$0x2] =	wrdreg s18  }
0xb0: {  	[dreg:$0x3] =	wrdreg s2  }
0xb1: {  	[dreg:$0x4] =	wrdreg s24  }
0xb2: {  	[dreg:$0x5] =	wrdreg $0x9  }
0xb3: {  	_ =	task.clear_ibuf [dreg:s8], $0x6FFFF;
	_ =	strace $0x90000049  }
0xb4: {  	s29 =	simm.s32 $0x9;
	_ =	strace $0x8000004B  }
0xb5: {  	_ =	swait.ge [sflag:s29], $0x1  }
0xb6: {  	[sflag:s29] =	ssyncadd.s32 $0xFFFFFFFF  }
0xb7: {  	_ =	strace $0x9000004B  }
0xb8: {  	_ =	sfence  }
0xb9: {  	s30 =	sld [smem:$0x0];
	_ =	sdelay $0x2  }
0xba: {  	s31 =	sshll.u32 s1, $0xD;
	s1 =	sshrl.u32 s1, $0x2  }
0xbb: {  	s3 =	sand.u32 $0x4000, s31;
	s1 =	sadd.s32 s1, s30  }
0xbc: {  	s0 =	sor.u32 s3, s0;
	s1 =	sshll.u32 s1, $0x11  }
0xbd: {  	s0 =	sor.u32 s1, s0  }
0xbe: {  	s0 =	sadd.s32 $0x8F2B, s0  }
0xbf: {  	[sflag:s0] =	ssyncadd.remote.s32 $0x1  }
0xc0: {  	_ =	sfence.sel $0xFFFF  }
0xc1: {  	[dreg:$0x0] =	wrdreg $0xFFFFFFFF;
	(pc) =	sbr.abs _section_cstart, $3  }
0xc2: {  	[dreg:$0x1] =	wrdreg $0xFFFFFFFF  }
0xc3: {  	_ =	task.clear_ibuf [dreg:s8], $0x2FFFF;
	_ =	strace $0x9FFFFFFF  }
0xc4: {  	(tm) =	ssettm $0x7FFFFFFF  }
0xc5: {  	_ =	shalt  }
tec
execute0_lowered:
.L_overlay_start_1:
0x0: {  	(tag) =	ssettag $0x1  }
0x1: {  	s1 =	rddreg [dreg:$0x0]  }
0x2: {  	s0 =	rddreg [dreg:$0x2]  }
0x3: {  	s2 =	srdreg.scid;
	s3 =	stileid.u32;
	s4 =	simm.s32 $0x0  }
0x4: {  	s12 =	simm.s32 $0x5;
	s13 =	simm.s32 $0x800;
	s14 =	simm.s32 $0x4800  }
0x5: {  	s15 =	simm.s32 $0x1;
	s16 =	simm.s32 $0x8800;
	s17 =	simm.s32 $0x2  }
0x6: {  	s18 =	simm.s32 $0x4;
	s19 =	simm.s32 $0xC800;
	s20 =	simm.s32 $0x3  }
0x7: {  	s21 =	simm.s32 $0x0;
	s2 =	sand.u32 $0x1, s2;
	s5 =	sshll.u32 s3, $0x15  }
.Ltmp0:
0x8: {  	[smem:$0x7FF] =	sst s4;
	s6 =	sshll.u32 s2, $0x14;
	(pc) =	sbr.rel .LBB2_1-.Ltmp0, $4  }
0x9: {  	_ =	strace $0x8000004A;
	s2 =	ssub.s32 $0x2, s2;
	s5 =	sor.u32 s6, s5  }
0xa: {  	s6 =	sadd.s32 $0x800, s0;
	s31 =	sshrl.u32 s2, $0x1;
	s7 =	sshrl.u32 s5, $0x3  }
0xb: {  	s0 =	ssub.s32 s2, s31;
	s9 =	sor.u32 $0x8000, s5;
	s7 =	sadd.s32 s1, s7  }
0xc: {  	s10 =	sor.u32 $0xC000, s5;
	s11 =	smax.u32 s0, $0x1;
	s8 =	sadd.s32 $0x800, s7  }
.LBB2_12:
0xd: {  	s21 =	sadd.s32 $0x1, s21  }
0xe: {  	_ =	swait.ge [sflag:s20], $0x4000;
	p0 =	sne.s32 s21, s11  }
.Ltmp1:
0xf: {  	[sflag:s20] =	ssyncset.done $0x0;
	(pc) =	sbr.rel @!p0 .LBB2_13-.Ltmp1, $4  }
0x10: {  	[sflag:s20] =	ssyncadd.s32 $0xFFFFC000  }
0x11: {  	_ =	swait.ge [sflag:s18], $0x4000  }
0x12: {  	[sflag:s18] =	ssyncset.done $0x0  }
0x13: {  	[sflag:s18] =	ssyncadd.s32 $0xFFFFC000  }
.LBB2_1:
0x14: {  	s0 =	rddreg [dreg:$0x1]  }
0x15: {  	[tilespmem:s4], [sflag:$0x5] =	stream.linear.gather [hbm4b:s0+s4], $0x800, $0x38;
	[tilespmem:$0x10800] =	vst v63  }
0x16: {  	_ =	swait.ge [sflag:s12], $0x800  }
0x17: {  	[sflag:s12] =	ssyncset.done $0x0  }
0x18: {  	[sflag:s12] =	ssyncadd.s32 $0xFFFFF800  }
0x19: {  	[tilespmem:s13], [sflag:$0x1] =	stream.linear.gather [hbm4b:s7+s4], $0x4000, $0x38;
	[tilespmem:$0x10800] =	vst v63  }
0x1a: {  	s22 =	simm.s32 $0x0  }
0x1b: {  	[tilespmem:s14], [sflag:$0x2] =	stream.linear.gather [hbm4b:s8+s4], $0x4000, $0x38;
	[tilespmem:$0x10800] =	vst v63  }
.LBB2_2:
0x1c: {  	_ =	swait.ge [sflag:s15], $0x4000  }
0x1d: {  	p0 =	seq.s32 s22, $0x0;
	[sflag:s15] =	ssyncset.done $0x0  }
0x1e: {  	s0 =	simm.s32 @!p0 $0x3;
	[sflag:s15] =	ssyncadd.s32 $0xFFFFC000  }
0x1f: {  	_ =	swait.ge @!p0 [sflag:s0], $0x4000  }
0x20: {  	[sflag:s0] =	ssyncset.done @!p0 $0x0  }
0x21: {  	s26 =	simm.s32 $0x10;
	[sflag:s0] =	ssyncadd.s32 @!p0 $0xFFFFC000  }
0x22: {  	v2 =	vld [tilespmem:s26+$0x0]  }
0x23: {  	v7 =	vld [tilespmem:s26+$0xFFFFFFF0];
	_ =	sdelay $0x3  }
0x24: {  	v1 =	vadd.s32 $0x2800, v2  }
0x25: {  	s28 =	simm.s32 $0x30;
	v3 =	vadd.s32 $0x800, v2  }
0x26: {  	v23 =	vld [tilespmem:s28+$0x0];
	v4 =	vadd.s32 $0x2000, v2  }
0x27: {  	v6 =	vadd.s32 $0x3800, v2;
	v0 =	vld.idx.msk [tilespmem:v2+s13+$0x0], $0xffff  }
0x28: {  	v8 =	vadd.s32 $0x1000, v2;
	v11 =	vld.idx.msk [tilespmem:v7+s13+$0x0], $0xffff  }
0x29: {  	v14 =	vld.idx.msk [tilespmem:v1+s13+$0x0], $0xffff  }
0x2a: {  	v10 =	vadd.s32 $0x2800, v7;
	v5 =	vld.idx.msk [tilespmem:v3+s13+$0x0], $0xffff  }
0x2b: {  	v17 =	vadd.s32 $0x1000, v7;
	v3 =	vld.idx.msk [tilespmem:v4+s13+$0x0], $0xffff  }
0x2c: {  	v1 =	vadd.s32 $0x1800, v2;
	v22 =	vld.idx.msk [tilespmem:v6+s13+$0x0], $0xffff  }
0x2d: {  	v9 =	vadd.s32 $0x800, v7;
	v6 =	vld.idx.msk [tilespmem:v8+s13+$0x0], $0xffff  }
0x2e: {  	v8 =	vadd.s32 $0x1800, v7;
	v4 =	vld [tilespmem:s28+$0xFFFFFFF0]  }
0x2f: {  	v13 =	vadd.s32 $0x3000, v7;
	v12 =	vld.idx.msk [tilespmem:v10+s13+$0x0], $0xffff  }
0x30: {  	v15 =	vadd.s32 $0x2000, v7;
	v18 =	vadd.s32 $0x3000, v2;
	v2 =	vld.idx.msk [tilespmem:v17+s13+$0x0], $0xffff  }
0x31: {  	v7 =	vadd.s32 $0x3800, v7;
	v16 =	vld.idx.msk [tilespmem:v1+s13+$0x0], $0xffff  }
0x32: {  	v1 =	vld.idx.msk [tilespmem:v9+s13+$0x0], $0xffff  }
0x33: {  	v10 =	vld.idx.msk [tilespmem:v8+s13+$0x0], $0xffff  }
0x34: {  	v24 =	vadd.s32 $0x2800, v23;
	v9 =	vld.idx.msk [tilespmem:v13+s13+$0x0], $0xffff  }
0x35: {  	v21 =	vadd.s32 $0x800, v23;
	v8 =	vld.idx.msk [tilespmem:v15+s13+$0x0], $0xffff  }
0x36: {  	s26 =	simm.s32 $0x8800;
	v19 =	vadd.s32 $0x2000, v23;
	v7 =	vld.idx.msk [tilespmem:v7+s13+$0x0], $0xffff  }
0x37: {  	s23 =	sshll.u32 s22, $0xF;
	v20 =	vadd.s32 $0x3800, v23;
	[tilespmem:s26+$0x0] =	vst v11;
	v13 =	vld.idx.msk [tilespmem:v18+s13+$0x0], $0xffff  }
0x38: {  	s29 =	simm.s32 $0x0;
	s24 =	simm.s32 $0x20;
	s30 =	simm.s32 $0x2;
	v15 =	vld.idx.msk [tilespmem:v23+s13+$0x0], $0xffff;
	[tilespmem:s26+$0x3810] =	vst v22  }
0x39: {  	s31 =	simm.s32 $0x8820;
	s25 =	simm.s32 $0x8820;
	s0 =	simm.s32 $0x40;
	v17 =	vadd.s32 $0x1800, v23;
	v18 =	vadd.s32 $0x1000, v23;
	v11 =	vadd.s32 $0x3000, v23;
	[tilespmem:s26+$0x1810] =	vst v16;
	v16 =	vld.idx.msk [tilespmem:v24+s13+$0x0], $0xffff  }
.LBB2_3:
0x3a: {  	s30 =	sadd.s32 $0x2, s30;
	v22 =	vadd.s32 $0x800, v4;
	v23 =	vadd.s32 $0x1000, v4;
	v24 =	vadd.s32 $0x1800, v4;
	v21 =	vld.idx.msk [tilespmem:v21+s13+$0x0], $0xffff;
	s31 =	sadd.s32 $0x20, s31;
	s28 =	sadd.s32 $0x20, s28;
	[tilespmem:s26+$0x2810] =	vst v14  }
0x3b: {  	v25 =	vadd.s32 $0x2000, v4;
	v26 =	vadd.s32 $0x2800, v4;
	v27 =	vadd.s32 $0x3000, v4;
	p1 =	slt.u32 s30, $0x7E;
	[tilespmem:s26+$0x2010] =	vst v3;
	v3 =	vld.idx.msk [tilespmem:v19+s13+$0x0], $0xffff  }
0x3c: {  	v28 =	vadd.s32 $0x3800, v4;
	v29 =	vld.idx.msk [tilespmem:v20+s13+$0x0], $0xffff;
	[tilespmem:s26+$0x1010] =	vst v6  }
0x3d: {  	v30 =	vld.idx.msk [tilespmem:v4+s13+$0x0], $0xffff;
	[tilespmem:s26+$0x810] =	vst v5  }
0x3e: {  	s2 =	sand.u32 $0x7E0, s29;
	s29 =	smov.u32 s24;
	s24 =	smov.u32 s0;
	v6 =	vld.idx.msk [tilespmem:v18+s13+$0x0], $0xffff;
	[tilespmem:s26+$0x10] =	vst v0;
	v0 =	vmov v15  }
0x3f: {  	v14 =	vmov v16;
	v4 =	vld [tilespmem:s28+$0xFFFFFFF0];
	[tilespmem:s2+$0xB000] =	vst v12  }
0x40: {  	v5 =	vmov v21;
	v31 =	vld [tilespmem:s28+$0x0];
	[tilespmem:s2+$0xA000] =	vst v10  }
0x41: {  	v16 =	vld.idx.msk [tilespmem:v17+s13+$0x0], $0xffff;
	[tilespmem:s2+$0xB800] =	vst v9  }
0x42: {  	[tilespmem:s2+$0x9000] =	vst v1;
	v1 =	vld.idx.msk [tilespmem:v22+s13+$0x0], $0xffff  }
0x43: {  	v12 =	vld.idx.msk [tilespmem:v26+s13+$0x0], $0xffff;
	[tilespmem:s2+$0xA800] =	vst v8  }
0x44: {  	v10 =	vld.idx.msk [tilespmem:v24+s13+$0x0], $0xffff;
	[tilespmem:s26+$0x3010] =	vst v13;
	s26 =	smov.u32 s25;
	s25 =	smov.u32 s31  }
0x45: {  	v9 =	vld.idx.msk [tilespmem:v27+s13+$0x0], $0xffff;
	[tilespmem:s2+$0xC000] =	vst v7  }
0x46: {  	v21 =	vadd.s32 $0x800, v31;
	v22 =	vadd.s32 $0x2800, v31;
	v8 =	vld.idx.msk [tilespmem:v25+s13+$0x0], $0xffff;
	[tilespmem:s2+$0x9800] =	vst v2  }
.Ltmp2:
0x47: {  	v19 =	vadd.s32 $0x2000, v31;
	v2 =	vld.idx.msk [tilespmem:v23+s13+$0x0], $0xffff;
	(pc) =	sbr.rel @p1 .LBB2_3-.Ltmp2, $4  }
0x48: {  	v18 =	vadd.s32 $0x1000, v31;
	v20 =	vadd.s32 $0x3800, v31;
	v7 =	vld.idx.msk [tilespmem:v28+s13+$0x0], $0xffff  }
0x49: {  	[tilespmem:s26+$0x0] =	vst v30;
	v13 =	vld.idx.msk [tilespmem:v11+s13+$0x0], $0xffff  }
0x4a: {  	v15 =	vld.idx.msk [tilespmem:v31+s13+$0x0], $0xffff;
	[tilespmem:s26+$0x1810] =	vst v16  }
0x4b: {  	s0 =	sadd.s32 $0x20, s0;
	v17 =	vadd.s32 $0x1800, v31;
	v11 =	vadd.s32 $0x3000, v31;
	v16 =	vld.idx.msk [tilespmem:v22+s13+$0x0], $0xffff;
	[tilespmem:s26+$0x3810] =	vst v29  }
0x4c: {  	_ =	sdelay $0x1  }
0x4d: {  	[tilespmem:s26+$0x2810] =	vst v14  }
0x4e: {  	[tilespmem:s26+$0x2010] =	vst v3  }
0x4f: {  	v21 =	vld.idx.msk [tilespmem:v21+s13+$0x0], $0xffff;
	[tilespmem:s26+$0x1010] =	vst v6  }
0x50: {  	v19 =	vld.idx.msk [tilespmem:v19+s13+$0x0], $0xffff;
	[tilespmem:s26+$0x810] =	vst v5  }
0x51: {  	v51 =	vadd.s32 $0x800, v4;
	v20 =	vld.idx.msk [tilespmem:v20+s13+$0x0], $0xffff;
	s0 =	sand.u32 $0x7E0, s29;
	[tilespmem:s26+$0x10] =	vst v0  }
0x52: {  	v52 =	vadd.s32 $0x2800, v4;
	v22 =	vld.idx.msk [tilespmem:v4+s13+$0x0], $0xffff;
	[tilespmem:s0+$0xB000] =	vst v12  }
0x53: {  	v53 =	vadd.s32 $0x1800, v4;
	v18 =	vld.idx.msk [tilespmem:v18+s13+$0x0], $0xffff;
	[tilespmem:s0+$0xA000] =	vst v10  }
0x54: {  	v54 =	vadd.s32 $0x3000, v4;
	v56 =	vld.idx.msk [tilespmem:v17+s13+$0x0], $0xffff;
	[tilespmem:s0+$0xB800] =	vst v9  }
0x55: {  	v55 =	vadd.s32 $0x2000, v4;
	v63 =	vld.idx.msk [tilespmem:v11+s13+$0x0], $0xffff;
	[tilespmem:s0+$0x9000] =	vst v1  }
0x56: {  	v57 =	vadd.s32 $0x1000, v4;
	[tilespmem:s0+$0xA800] =	vst v8;
	v58 =	vld.idx.msk [tilespmem:v51+s13+$0x0], $0xffff  }
0x57: {  	v59 =	vadd.s32 $0x3800, v4;
	[tilespmem:s0+$0xC000] =	vst v7;
	v3 =	vld.idx.msk [tilespmem:v52+s13+$0x0], $0xffff  }
0x58: {  	[tilespmem:s0+$0x9800] =	vst v2;
	v60 =	vld.idx.msk [tilespmem:v53+s13+$0x0], $0xffff  }
0x59: {  	[tilespmem:s26+$0x3010] =	vst v13;
	v5 =	vld.idx.msk [tilespmem:v54+s13+$0x0], $0xffff  }
0x5a: {  	[tilespmem:s25+$0x10] =	vst v15;
	v0 =	vld.idx.msk [tilespmem:v55+s13+$0x0], $0xffff  }
0x5b: {  	[tilespmem:s25+$0x2810] =	vst v16;
	v61 =	vld.idx.msk [tilespmem:v57+s13+$0x0], $0xffff  }
0x5c: {  	v62 =	vld.idx.msk [tilespmem:v59+s13+$0x0], $0xffff;
	[tilespmem:s25+$0x0] =	vst v22  }
0x5d: {  	[tilespmem:s25+$0x1810] =	vst v56  }
0x5e: {  	[tilespmem:s25+$0x3810] =	vst v20  }
0x5f: {  	[tilespmem:s25+$0x2010] =	vst v19  }
0x60: {  	[tilespmem:s25+$0x1010] =	vst v18  }
0x61: {  	[tilespmem:s25+$0x810] =	vst v21  }
0x62: {  	s30 =	sand.u32 $0x7E0, s24;
	[tilespmem:s25+$0x3010] =	vst v63  }
0x63: {  	[tilespmem:s30+$0xB000] =	vst v3  }
0x64: {  	[tilespmem:s30+$0xA000] =	vst v60  }
0x65: {  	p1 =	sne.s32 s22, $0x1F;
	[tilespmem:s30+$0xB800] =	vst v5  }
.Ltmp3:
0x66: {  	[tilespmem:s30+$0x9000] =	vst v58;
	(pc) =	sbr.rel @p1 .LBB2_6-.Ltmp3, $4  }
0x67: {  	s2 =	sor.u32 s5, s23;
	[tilespmem:s30+$0xA800] =	vst v0  }
0x68: {  	s24 =	sshrl.u32 s2, $0x3;
	[tilespmem:s30+$0xC000] =	vst v62  }
0x69: {  	s31 =	sadd.s32 s6, s24;
	[tilespmem:s30+$0x9800] =	vst v61  }
0x6a: {  	[hbm4b:s31+s4] =	stream.linear.scatter [tilespmem:s16], [sflag:$0x3], $0x4000, $0x38;
	[tilespmem:$0x10800] =	vst v63  }
.Ltmp4:
0x6b: {  	(pc) =	sbr.rel .LBB2_7-.Ltmp4, $4  }
0x6c: {  	_ = 	snop  }
0x6d: {  	_ =	swait.ge [sflag:s17], $0x4000  }
0x6e: {  	[sflag:s17] =	ssyncset.done $0x0  }
0x6f: {  	[sflag:s17] =	ssyncadd.s32 $0xFFFFC000  }
.LBB2_6:
0x70: {  	s0 =	sadd.s32 s23, s9  }
0x71: {  	s0 =	sshrl.u32 s0, $0x3  }
.Ltmp5:
0x72: {  	s0 =	sadd.s32 s1, s0;
	(pc) =	sbr.rel @p0 .LBB2_8-.Ltmp5, $4  }
0x73: {  	[tilespmem:s13], [sflag:$0x1] =	stream.linear.gather [hbm4b:s0+s4], $0x4000, $0x38;
	[tilespmem:$0x10800] =	vst v63  }
0x74: {  	_ =	swait.ge [sflag:s17], $0x4000  }
0x75: {  	[sflag:s17] =	ssyncset.done $0x0  }
0x76: {  	[sflag:s17] =	ssyncadd.s32 $0xFFFFC000  }
.LBB2_7:
0x77: {  	_ =	swait.ge [sflag:s18], $0x4000  }
0x78: {  	[sflag:s18] =	ssyncset.done $0x0  }
0x79: {  	[sflag:s18] =	ssyncadd.s32 $0xFFFFC000  }
.LBB2_8:
0x7a: {  	s0 =	simm.s32 $0x10  }
0x7b: {  	v2 =	vld [tilespmem:s0+$0x0]  }
0x7c: {  	v7 =	vld [tilespmem:s0+$0xFFFFFFF0];
	_ =	sdelay $0x3  }
0x7d: {  	v1 =	vadd.s32 $0x2800, v2  }
0x7e: {  	s29 =	simm.s32 $0x30;
	v3 =	vadd.s32 $0x800, v2  }
0x7f: {  	v23 =	vld [tilespmem:s29+$0x0];
	v4 =	vadd.s32 $0x2000, v2  }
0x80: {  	v6 =	vadd.s32 $0x3800, v2;
	v0 =	vld.idx.msk [tilespmem:v2+s14+$0x0], $0xffff  }
0x81: {  	v8 =	vadd.s32 $0x1000, v2;
	v11 =	vld.idx.msk [tilespmem:v7+s14+$0x0], $0xffff  }
0x82: {  	v14 =	vld.idx.msk [tilespmem:v1+s14+$0x0], $0xffff  }
0x83: {  	v10 =	vadd.s32 $0x2800, v7;
	v5 =	vld.idx.msk [tilespmem:v3+s14+$0x0], $0xffff  }
0x84: {  	v17 =	vadd.s32 $0x1000, v7;
	v3 =	vld.idx.msk [tilespmem:v4+s14+$0x0], $0xffff  }
0x85: {  	v1 =	vadd.s32 $0x1800, v2;
	v22 =	vld.idx.msk [tilespmem:v6+s14+$0x0], $0xffff  }
0x86: {  	v9 =	vadd.s32 $0x800, v7;
	v6 =	vld.idx.msk [tilespmem:v8+s14+$0x0], $0xffff  }
0x87: {  	v8 =	vadd.s32 $0x1800, v7;
	v4 =	vld [tilespmem:s29+$0xFFFFFFF0]  }
0x88: {  	v13 =	vadd.s32 $0x3000, v7;
	v12 =	vld.idx.msk [tilespmem:v10+s14+$0x0], $0xffff  }
0x89: {  	v15 =	vadd.s32 $0x2000, v7;
	v18 =	vadd.s32 $0x3000, v2;
	v2 =	vld.idx.msk [tilespmem:v17+s14+$0x0], $0xffff  }
0x8a: {  	v7 =	vadd.s32 $0x3800, v7;
	v16 =	vld.idx.msk [tilespmem:v1+s14+$0x0], $0xffff  }
0x8b: {  	v1 =	vld.idx.msk [tilespmem:v9+s14+$0x0], $0xffff  }
0x8c: {  	v10 =	vld.idx.msk [tilespmem:v8+s14+$0x0], $0xffff  }
0x8d: {  	v24 =	vadd.s32 $0x2800, v23;
	v9 =	vld.idx.msk [tilespmem:v13+s14+$0x0], $0xffff  }
0x8e: {  	v21 =	vadd.s32 $0x800, v23;
	v8 =	vld.idx.msk [tilespmem:v15+s14+$0x0], $0xffff  }
0x8f: {  	s28 =	simm.s32 $0xC800;
	v19 =	vadd.s32 $0x2000, v23;
	v7 =	vld.idx.msk [tilespmem:v7+s14+$0x0], $0xffff  }
0x90: {  	v20 =	vadd.s32 $0x3800, v23;
	[tilespmem:s28+$0x0] =	vst v11;
	v13 =	vld.idx.msk [tilespmem:v18+s14+$0x0], $0xffff  }
0x91: {  	s30 =	simm.s32 $0x0;
	s25 =	simm.s32 $0x20;
	s31 =	simm.s32 $0x2;
	v15 =	vld.idx.msk [tilespmem:v23+s14+$0x0], $0xffff;
	[tilespmem:s28+$0x3810] =	vst v22  }
0x92: {  	s2 =	simm.s32 $0x40;
	s26 =	simm.s32 $0xC820;
	s0 =	simm.s32 $0xC820;
	v17 =	vadd.s32 $0x1800, v23;
	v18 =	vadd.s32 $0x1000, v23;
	v11 =	vadd.s32 $0x3000, v23;
	[tilespmem:s28+$0x1810] =	vst v16;
	v16 =	vld.idx.msk [tilespmem:v24+s14+$0x0], $0xffff  }
.LBB2_9:
0x93: {  	s31 =	sadd.s32 $0x2, s31;
	v22 =	vadd.s32 $0x800, v4;
	v23 =	vadd.s32 $0x1000, v4;
	v24 =	vadd.s32 $0x1800, v4;
	v21 =	vld.idx.msk [tilespmem:v21+s14+$0x0], $0xffff;
	s0 =	sadd.s32 $0x20, s0;
	s29 =	sadd.s32 $0x20, s29;
	[tilespmem:s28+$0x2810] =	vst v14  }
0x94: {  	v25 =	vadd.s32 $0x2000, v4;
	v26 =	vadd.s32 $0x2800, v4;
	v27 =	vadd.s32 $0x3000, v4;
	p0 =	slt.u32 s31, $0x7E;
	[tilespmem:s28+$0x2010] =	vst v3;
	v3 =	vld.idx.msk [tilespmem:v19+s14+$0x0], $0xffff  }
0x95: {  	v28 =	vadd.s32 $0x3800, v4;
	v29 =	vld.idx.msk [tilespmem:v20+s14+$0x0], $0xffff;
	[tilespmem:s28+$0x1010] =	vst v6  }
0x96: {  	v30 =	vld.idx.msk [tilespmem:v4+s14+$0x0], $0xffff;
	[tilespmem:s28+$0x810] =	vst v5  }
0x97: {  	s3 =	sand.u32 $0x7E0, s30;
	s30 =	smov.u32 s25;
	s25 =	smov.u32 s2;
	v6 =	vld.idx.msk [tilespmem:v18+s14+$0x0], $0xffff;
	[tilespmem:s28+$0x10] =	vst v0;
	v0 =	vmov v15  }
0x98: {  	v14 =	vmov v16;
	v4 =	vld [tilespmem:s29+$0xFFFFFFF0];
	[tilespmem:s3+$0xF000] =	vst v12  }
0x99: {  	v5 =	vmov v21;
	v31 =	vld [tilespmem:s29+$0x0];
	[tilespmem:s3+$0xE000] =	vst v10  }
0x9a: {  	v16 =	vld.idx.msk [tilespmem:v17+s14+$0x0], $0xffff;
	[tilespmem:s3+$0xF800] =	vst v9  }
0x9b: {  	[tilespmem:s3+$0xD000] =	vst v1;
	v1 =	vld.idx.msk [tilespmem:v22+s14+$0x0], $0xffff  }
0x9c: {  	v12 =	vld.idx.msk [tilespmem:v26+s14+$0x0], $0xffff;
	[tilespmem:s3+$0xE800] =	vst v8  }
0x9d: {  	v10 =	vld.idx.msk [tilespmem:v24+s14+$0x0], $0xffff;
	[tilespmem:s28+$0x3010] =	vst v13;
	s28 =	smov.u32 s26;
	s26 =	smov.u32 s0  }
0x9e: {  	v9 =	vld.idx.msk [tilespmem:v27+s14+$0x0], $0xffff;
	[tilespmem:s3+$0x10000] =	vst v7  }
0x9f: {  	v21 =	vadd.s32 $0x800, v31;
	v22 =	vadd.s32 $0x2800, v31;
	v8 =	vld.idx.msk [tilespmem:v25+s14+$0x0], $0xffff;
	[tilespmem:s3+$0xD800] =	vst v2  }
.Ltmp6:
0xa0: {  	v19 =	vadd.s32 $0x2000, v31;
	v2 =	vld.idx.msk [tilespmem:v23+s14+$0x0], $0xffff;
	(pc) =	sbr.rel @p0 .LBB2_9-.Ltmp6, $4  }
0xa1: {  	v18 =	vadd.s32 $0x1000, v31;
	v20 =	vadd.s32 $0x3800, v31;
	v7 =	vld.idx.msk [tilespmem:v28+s14+$0x0], $0xffff  }
0xa2: {  	[tilespmem:s28+$0x0] =	vst v30;
	v13 =	vld.idx.msk [tilespmem:v11+s14+$0x0], $0xffff  }
0xa3: {  	v15 =	vld.idx.msk [tilespmem:v31+s14+$0x0], $0xffff;
	[tilespmem:s28+$0x1810] =	vst v16  }
0xa4: {  	s2 =	sadd.s32 $0x20, s2;
	v17 =	vadd.s32 $0x1800, v31;
	v11 =	vadd.s32 $0x3000, v31;
	v16 =	vld.idx.msk [tilespmem:v22+s14+$0x0], $0xffff;
	[tilespmem:s28+$0x3810] =	vst v29  }
0xa5: {  	_ =	sdelay $0x1  }
0xa6: {  	[tilespmem:s28+$0x2810] =	vst v14  }
0xa7: {  	[tilespmem:s28+$0x2010] =	vst v3  }
0xa8: {  	v21 =	vld.idx.msk [tilespmem:v21+s14+$0x0], $0xffff;
	[tilespmem:s28+$0x1010] =	vst v6  }
0xa9: {  	v19 =	vld.idx.msk [tilespmem:v19+s14+$0x0], $0xffff;
	[tilespmem:s28+$0x810] =	vst v5  }
0xaa: {  	v51 =	vadd.s32 $0x800, v4;
	v20 =	vld.idx.msk [tilespmem:v20+s14+$0x0], $0xffff;
	s0 =	sand.u32 $0x7E0, s30;
	[tilespmem:s28+$0x10] =	vst v0  }
0xab: {  	v52 =	vadd.s32 $0x2800, v4;
	v22 =	vld.idx.msk [tilespmem:v4+s14+$0x0], $0xffff;
	[tilespmem:s0+$0xF000] =	vst v12  }
0xac: {  	v53 =	vadd.s32 $0x1800, v4;
	v18 =	vld.idx.msk [tilespmem:v18+s14+$0x0], $0xffff;
	[tilespmem:s0+$0xE000] =	vst v10  }
0xad: {  	v54 =	vadd.s32 $0x3000, v4;
	v56 =	vld.idx.msk [tilespmem:v17+s14+$0x0], $0xffff;
	[tilespmem:s0+$0xF800] =	vst v9  }
0xae: {  	v55 =	vadd.s32 $0x2000, v4;
	v63 =	vld.idx.msk [tilespmem:v11+s14+$0x0], $0xffff;
	[tilespmem:s0+$0xD000] =	vst v1  }
0xaf: {  	v57 =	vadd.s32 $0x1000, v4;
	[tilespmem:s0+$0xE800] =	vst v8;
	v58 =	vld.idx.msk [tilespmem:v51+s14+$0x0], $0xffff  }
0xb0: {  	v59 =	vadd.s32 $0x3800, v4;
	[tilespmem:s0+$0x10000] =	vst v7;
	v3 =	vld.idx.msk [tilespmem:v52+s14+$0x0], $0xffff  }
0xb1: {  	[tilespmem:s0+$0xD800] =	vst v2;
	v60 =	vld.idx.msk [tilespmem:v53+s14+$0x0], $0xffff  }
0xb2: {  	[tilespmem:s28+$0x3010] =	vst v13;
	v5 =	vld.idx.msk [tilespmem:v54+s14+$0x0], $0xffff  }
0xb3: {  	[tilespmem:s26+$0x10] =	vst v15;
	v0 =	vld.idx.msk [tilespmem:v55+s14+$0x0], $0xffff  }
0xb4: {  	[tilespmem:s26+$0x2810] =	vst v16;
	v61 =	vld.idx.msk [tilespmem:v57+s14+$0x0], $0xffff  }
0xb5: {  	v62 =	vld.idx.msk [tilespmem:v59+s14+$0x0], $0xffff;
	[tilespmem:s26+$0x0] =	vst v22  }
0xb6: {  	[tilespmem:s26+$0x1810] =	vst v56  }
0xb7: {  	[tilespmem:s26+$0x3810] =	vst v20  }
0xb8: {  	[tilespmem:s26+$0x2010] =	vst v19  }
0xb9: {  	[tilespmem:s26+$0x1010] =	vst v18  }
0xba: {  	[tilespmem:s26+$0x810] =	vst v21  }
0xbb: {  	s30 =	sand.u32 $0x7E0, s25;
	[tilespmem:s26+$0x3010] =	vst v63  }
0xbc: {  	[tilespmem:s30+$0xF000] =	vst v3  }
0xbd: {  	[tilespmem:s30+$0xE000] =	vst v60  }
0xbe: {  	p0 =	seq.s32 s22, $0x1F;
	[tilespmem:s30+$0xF800] =	vst v5  }
.Ltmp7:
0xbf: {  	[tilespmem:s30+$0xD000] =	vst v58;
	(pc) =	sbr.rel @p0 .LBB2_12-.Ltmp7, $4  }
0xc0: {  	[tilespmem:s30+$0xE800] =	vst v0  }
0xc1: {  	s2 =	sadd.s32 s24, s6;
	[tilespmem:s30+$0x10000] =	vst v62  }
0xc2: {  	s31 =	sadd.s32 $0x800, s2;
	[tilespmem:s30+$0xD800] =	vst v61  }
0xc3: {  	[hbm4b:s31+s4] =	stream.linear.scatter [tilespmem:s19], [sflag:$0x4], $0x4000, $0x38;
	[tilespmem:$0x10800] =	vst v63  }
.Ltmp8:
0xc4: {  	(pc) =	sbr.rel .LBB2_2-.Ltmp8, $4  }
0xc5: {  	s0 =	sadd.s32 s23, s10  }
0xc6: {  	s0 =	sshrl.u32 s0, $0x3  }
0xc7: {  	s22 =	sadd.s32 $0x1, s22;
	s0 =	sadd.s32 s1, s0  }
0xc8: {  	[tilespmem:s14], [sflag:$0x2] =	stream.linear.gather [hbm4b:s0+s4], $0x4000, $0x38;
	[tilespmem:$0x10800] =	vst v63  }
.LBB2_13:
0xc9: {  	_ =	sfence.sel $0x180000  }
0xca: {  	[bflag:$0x0] =	sbarrier.arrive $0xFFFF  }
0xcb: {  	_ =	strace $0x9000004A  }
0xcc: {  	s0 =	stileid.u32;
	[bflag:$0x2] =	sbarrier.arrive $0xFFFF  }
0xcd: {  	p0 =	sne.s32 s0, $0x0;
	s0 =	rddreg [dreg:$0x3]  }
0xce: {  	s0 =	sadd.s32 @!p0 $0x100000, s0  }
0xcf: {  	[sflag:s0] =	ssyncadd.tile.s32 @!p0 $0x1;
	_ =	shalt  }
.Lfunc_end2:
_tile_overlayer_lowered:
.L_overlay_start_2:
0xd0: {  	(tag) =	ssettag $0x2  }
0xd1: {  	s0 =	rddreg [dreg:$0x0];
	s2 =	stileid.u32  }
0xd2: {  	s1 =	rddreg [dreg:$0x1];
	p0 =	sne.s32 s2, $0x0  }
0xd3: {  	s3 =	rddreg [dreg:$0x2];
	[bflag:$0x3] =	sbarrier.arrive $0xFFFF;
	s2 =	simm.s32 @!p0 $0x1C05  }
0xd4: {  	[timem:s3], [sflag:s2] =	dma.local @!p0 [hbm:s0], s1  }
0xd5: {  	s0 =	simm.s32 @!p0 $0x5  }
0xd6: {  	_ =	swait.ge @!p0 [sflag:s0], s1  }
0xd7: {  	s1 =	ssub.s32 @!p0 $0x0, s1;
	[sflag:s0] =	ssyncset.done @!p0 $0x0  }
0xd8: {  	[sflag:s0] =	ssyncadd.s32 @!p0 s1  }
0xd9: {  	[bflag:$0x3] =	sbarrier.arrive $0xFFFF  }
0xda: {  	_ =	shalt  }

// kernel: sparse-core-data-format-call.cloned.1.call-start
scs
called_computation_lowered:
.L_overlay_start_0:
0x0: {  	s2 =	sld [smem:$0x3FD9]  }
0x1: {  	s3 =	sld [smem:$0x3FFE];
	_ =	sdelay $0x1  }
0x2: {  	s1 =	srdreg.scid  }
0x3: {  	s0 =	sand.u32 $0x1, s1  }
0x4: {  	s19 =	sshll.u32 s0, $0xA;
	s2 =	sadd.s32 s3, s2  }
0x5: {  	s2 =	sadd.s32 s2, s19  }
0x6: {  	[smem:$0x3FC6] =	sst s2  }
0x7: {  	_ = 	snop  }
0x8: {  	s2 =	sld [smem:$0x3FC9]  }
0x9: {  	s20 =	sld [smem:$0x3FD0];
	(tm) =	ssettm $0x1  }
0xa: {  	s4 =	sld [smem:$0x3FFB];
	_ =	sdelay $0x3  }
0xb: {  	_ =	strace s4  }
0xc: {  	s4 =	sld [smem:$0x3FFC];
	_ =	sdelay $0x3  }
0xd: {  	_ =	strace s4  }
0xe: {  	s4 =	sld [smem:$0x3FFD];
	_ =	sdelay $0x3  }
0xf: {  	_ =	strace s4  }
0x10: {  	_ =	strace $0x8FFFFFFF  }
0x11: {  	s21 =	sld [smem:$0x3FDB];
	_ =	sdelay $0x1  }
0x12: {  	s5 =	simm.s32 $_scs_section_size  }
0x13: {  	s6 =	simm.s32 $_size__tile_overlayer_lowered;
	s7 =	simm.s32 $_tile_overlayer_lowered  }
0x14: {  	s24 =	simm.s32 $0x1BFF;
	s23 =	sshll.u32 s7, $0x1;
	s4 =	sadd.s32 s5, s21  }
0x15: {  	s8 =	simm.s32 $0x0;
	s22 =	sshll.u32 s6, $0x1;
	s6 =	sadd.s32 s23, s4  }
0x16: {  	[timem:s8], [sflag:s24] =	dma.local [hbm:s6], s22  }
0x17: {  	_ =	swait.ge [sflag:s24], s22  }
0x18: {  	s5 =	ssub.s32 $0x0, s22;
	[sflag:s24] =	ssyncset.done $0x0  }
0x19: {  	[sflag:s24] =	ssyncadd.s32 s5;
	_ =	sdelay $0x1  }
0x1a: {  	s25 =	simm.s32 $0x1B8B  }
0x1b: {  	_ =	swait.ge [sflag:s25], $0x1  }
0x1c: {  	[sflag:s25] =	ssyncset.done $0x0  }
0x1d: {  	s26 =	simm.s32 $0x1B8E;
	[sflag:s25] =	ssyncadd.s32 $0xFFFFFFFF  }
0x1e: {  	s27 =	simm.s32 $execute0_lowered;
	[smem:$0x3FD2] =	sst s26  }
0x1f: {  	s5 =	sshll.u32 s27, $0x1;
	_ =	strace $0x80000046;
	[dreg:$0x1] =	wrdreg $0xFFFFFFFF  }
0x20: {  	s28 =	simm.s32 $_size_execute0_lowered;
	s4 =	sadd.s32 s4, s5;
	[dreg:$0x0] =	wrdreg $0x0  }
0x21: {  	s5 =	sshll.u32 s28, $0x1;
	[dreg:$0x2] =	wrdreg s4  }
0x22: {  	[dreg:$0x3] =	wrdreg s5  }
0x23: {  	[dreg:$0x4] =	wrdreg $0xC0  }
0x24: {  	_ =	task [dreg:s8], $0x5FFFF  }
0x25: {  	[dreg:$0x1] =	wrdreg $0xFFFFFFFF  }
0x26: {  	[dreg:$0x0] =	wrdreg $0x60  }
0x27: {  	[dreg:$0x2] =	wrdreg s2  }
0x28: {  	[dreg:$0x3] =	wrdreg s20  }
0x29: {  	[dreg:$0x4] =	wrdreg $0x9  }
0x2a: {  	_ =	task.clear_ibuf [dreg:s8], $0x5FFFF;
	_ =	strace $0x90000046  }
0x2b: {  	s29 =	simm.s32 $0x9;
	_ =	strace $0x80000048  }
0x2c: {  	_ =	swait.ge [sflag:s29], $0x1  }
0x2d: {  	[sflag:s29] =	ssyncadd.s32 $0xFFFFFFFF  }
0x2e: {  	_ =	strace $0x90000048  }
0x2f: {  	_ =	sfence  }
0x30: {  	s30 =	sld [smem:$0x0];
	_ =	sdelay $0x2  }
0x31: {  	s31 =	sshll.u32 s1, $0xD;
	s1 =	sshrl.u32 s1, $0x2  }
0x32: {  	s3 =	sand.u32 $0x4000, s31;
	s1 =	sadd.s32 s1, s30  }
0x33: {  	s0 =	sor.u32 s3, s0;
	s1 =	sshll.u32 s1, $0x11  }
0x34: {  	s0 =	sor.u32 s1, s0  }
0x35: {  	s0 =	sadd.s32 $0x8F2B, s0  }
0x36: {  	[sflag:s0] =	ssyncadd.remote.s32 $0x1  }
0x37: {  	_ =	sfence.sel $0xFFFF  }
0x38: {  	[dreg:$0x0] =	wrdreg $0xFFFFFFFF;
	(pc) =	sbr.abs _section_cstart, $3  }
0x39: {  	[dreg:$0x1] =	wrdreg $0xFFFFFFFF  }
0x3a: {  	_ =	task.clear_ibuf [dreg:s8], $0x2FFFF;
	_ =	strace $0x9FFFFFFF  }
0x3b: {  	(tm) =	ssettm $0x7FFFFFFF  }
tec
execute0_lowered:
.L_overlay_start_1:
0x0: {  	(tag) =	ssettag $0x1  }
0x1: {  	s2 =	rddreg [dreg:$0x0]  }
0x2: {  	s3 =	rddreg [dreg:$0x1]  }
0x3: {  	s0 =	rddreg [dreg:$0x2];
	s4 =	srdreg.scid  }
.Ltmp0:
0x4: {  	_ =	strace $0x80000047;
	s1 =	stileid.u32;
	(pc) =	sbr.rel .LBB1_1-.Ltmp0, $4  }
0x5: {  	s6 =	simm.s32 $0x2;
	p0 =	por $0x0, $0x0;
	s5 =	sshll.u32 s4, $0x4  }
0x6: {  	s9 =	simm.s32 $0x0;
	s4 =	simm.s32 $0x1;
	s5 =	sand.u32 $0x10, s5  }
0x7: {  	s7 =	simm.s32 $0x0;
	[sflag:s4] =	ssyncpa.u1 $0x0;
	s5 =	sor.u32 s1, s5  }
0x8: {  	[sflag:s6] =	ssyncpa.u1 $0x0;
	s6 =	simm.s32 $0x0;
	s8 =	smov.u32 s5  }
.LBB1_7:
0x9: {  	s11 =	sadd.s32 $0x20, s8  }
0xa: {  	p1 =	slt.u32 s7, $0x2;
	s7 =	sadd.s32 $0x1, s7;
	p2 =	sgt.s32 s11, $0x7FF  }
0xb: {  	s11 =	smov.u32 @p2 s5;
	p2 =	sne.s32 s7, $0x42  }
.Ltmp1:
0xc: {  	_ = 	snop;
	(pc) =	sbr.rel @!p2 .LBB1_8-.Ltmp1, $4  }
0xd: {  	s10 =	simm.s32 @!p1 $0x2  }
0xe: {  	_ =	swait.ge @!p1 [sflag:s10], $0x4000  }
0xf: {  	s9 =	smov.u32 s8;
	[sflag:s10] =	ssyncset.done @!p1 $0x0  }
0x10: {  	p0 =	por !p0, !p0;
	s8 =	smov.u32 s11;
	[sflag:s10] =	ssyncadd.s32 @!p1 $0xFFFFC000  }
.LBB1_1:
0x11: {  	p1 =	sgt.u32 s7, $0x3F  }
0x12: {  	s10 =	sxor.u32 @!p1 $0xFFFFFFFF, s7  }
0x13: {  	s11 =	sshll.u32 @!p1 s8, $0xB;
	s10 =	sshll.u32 @!p1 s10, $0xE  }
0x14: {  	s12 =	simm.s32 @!p1 $0x0;
	s11 =	sadd.s32 @!p1 s2, s11;
	s10 =	sand.u32 @!p1 $0x4000, s10  }
0x15: {  	[tilespmem:s10], [sflag:$0x1] =	stream.linear.gather @!p1 [hbm4b:s11+s12], $0x4000, $0x38;
	[tilespmem:$0x10000] =	vst v63  }
0x16: {  	p1 =	seq.s32 s7, $0x0  }
0x17: {  	p2 =	seq.s32 @!p1 s7, $0x41  }
0x18: {  	p1 =	por p1, p2  }
.Ltmp2:
0x19: {  	_ = 	snop;
	(pc) =	sbr.rel @p1 .LBB1_7-.Ltmp2, $1  }
0x1a: {  	_ =	sdelay $0x3  }
0x1b: {  	s10 =	simm.s32 $0x1;
	_ =	swait.ge [sflag:s4], $0x4000;
	s12 =	sshll.u32 s7, $0xE  }
0x1c: {  	s13 =	simm.s32 $0x0;
	s10 =	simm.s32 @!p0 $0x0;
	[sflag:s4] =	ssyncset.done $0x0  }
0x1d: {  	s12 =	sand.u32 $0x4000, s12;
	s11 =	sshll.u32 s10, $0xE;
	[sflag:s4] =	ssyncadd.s32 $0xFFFFC000  }
0x1e: {  	s12 =	sor.u32 $0x8000, s12;
	s10 =	sor.u32 $0x8040, s11;
	s11 =	sor.u32 $0x40, s11  }
.LBB1_3:
0x1f: {  	v0 =	vmov s11;
	_ =	sdelay $0x3  }
0x20: {  	s15 =	simm.s32 $0x0  }
0x21: {  	v6 =	vld.idx.msk [tilespmem:v0+s15+$0x30 ss:$0x1], $0xffff  }
0x22: {  	v7 =	vld.idx.msk [tilespmem:v0+s15+$0xFFFFFFC0 ss:$0x1], $0xffff  }
0x23: {  	v5 =	vld.idx.msk [tilespmem:v0+s15+$0xFFFFFFD0 ss:$0x1], $0xffff  }
0x24: {  	v4 =	vld.idx.msk [tilespmem:v0+s15+$0xFFFFFFE0 ss:$0x1], $0xffff  }
0x25: {  	v3 =	vld.idx.msk [tilespmem:v0+s15+$0xFFFFFFF0 ss:$0x1], $0xffff  }
0x26: {  	v1 =	vld.idx.msk [tilespmem:v0+s15+$0x0 ss:$0x1], $0xffff  }
0x27: {  	v2 =	vld.idx.msk [tilespmem:v0+s15+$0x10 ss:$0x1], $0xffff;
	[tilespmem:s10+$0x30] =	vst v6  }
0x28: {  	s14 =	simm.s32 $0x80;
	s16 =	simm.s32 $0x400;
	[tilespmem:s10+$0xFFFFFFC0] =	vst v7;
	v6 =	vld.idx.msk [tilespmem:v0+s15+$0x20 ss:$0x1], $0xffff;
	s15 =	smov.u32 s10  }
.LBB1_4:
0x29: {  	p1 =	sne.s32 s16, $0xE00;
	v7 =	vld.idx.msk [tilespmem:v0+s14+$0x30 ss:$0x1], $0xffff;
	[tilespmem:s15+$0xFFFFFFD0] =	vst v5  }
0x2a: {  	v8 =	vld.idx.msk [tilespmem:v0+s14+$0xFFFFFFC0 ss:$0x1], $0xffff;
	[tilespmem:s15+$0xFFFFFFE0] =	vst v4  }
0x2b: {  	v5 =	vld.idx.msk [tilespmem:v0+s14+$0xFFFFFFD0 ss:$0x1], $0xffff;
	[tilespmem:s15+$0xFFFFFFF0] =	vst v3  }
.Ltmp3:
0x2c: {  	v4 =	vld.idx.msk [tilespmem:v0+s14+$0xFFFFFFE0 ss:$0x1], $0xffff;
	[tilespmem:s15+$0x0] =	vst v1;
	(pc) =	sbr.rel @p1 .LBB1_4-.Ltmp3, $4  }
0x2d: {  	v3 =	vld.idx.msk [tilespmem:v0+s14+$0xFFFFFFF0 ss:$0x1], $0xffff;
	[tilespmem:s15+$0x10] =	vst v2  }
0x2e: {  	v1 =	vld.idx.msk [tilespmem:v0+s14+$0x0 ss:$0x1], $0xffff;
	[tilespmem:s15+$0x20] =	vst v6;
	s15 =	sadd.s32 $0x800, s15  }
0x2f: {  	v2 =	vld.idx.msk [tilespmem:v0+s14+$0x10 ss:$0x1], $0xffff;
	[tilespmem:s15+$0x30] =	vst v7  }
0x30: {  	[tilespmem:s15+$0xFFFFFFC0] =	vst v8;
	v6 =	vld.idx.msk [tilespmem:v0+s14+$0x20 ss:$0x1], $0xffff;
	s14 =	sshra.s32 s16, $0x2;
	s16 =	sadd.s32 $0x200, s16  }
0x31: {  	_ =	sdelay $0x2  }
0x32: {  	[tilespmem:s15+$0xFFFFFFD0] =	vst v5  }
0x33: {  	v56 =	vld.idx.msk [tilespmem:v0+s14+$0x30 ss:$0x1], $0xffff;
	[tilespmem:s15+$0xFFFFFFE0] =	vst v4  }
0x34: {  	v57 =	vld.idx.msk [tilespmem:v0+s14+$0xFFFFFFC0 ss:$0x1], $0xffff;
	[tilespmem:s15+$0xFFFFFFF0] =	vst v3  }
0x35: {  	v58 =	vld.idx.msk [tilespmem:v0+s14+$0xFFFFFFD0 ss:$0x1], $0xffff;
	[tilespmem:s15+$0x0] =	vst v1  }
0x36: {  	v59 =	vld.idx.msk [tilespmem:v0+s14+$0xFFFFFFE0 ss:$0x1], $0xffff;
	[tilespmem:s15+$0x10] =	vst v2  }
0x37: {  	v60 =	vld.idx.msk [tilespmem:v0+s14+$0xFFFFFFF0 ss:$0x1], $0xffff;
	s31 =	sadd.s32 $0x800, s15;
	[tilespmem:s15+$0x20] =	vst v6  }
0x38: {  	v61 =	vld.idx.msk [tilespmem:v0+s14+$0x0 ss:$0x1], $0xffff;
	[tilespmem:s31+$0x30] =	vst v56  }
0x39: {  	v62 =	vld.idx.msk [tilespmem:v0+s14+$0x10 ss:$0x1], $0xffff;
	s13 =	sadd.s32 $0x1, s13;
	[tilespmem:s31+$0xFFFFFFC0] =	vst v57  }
0x3a: {  	v63 =	vld.idx.msk [tilespmem:v0+s14+$0x20 ss:$0x1], $0xffff;
	p1 =	sne.s32 s13, $0x10;
	[tilespmem:s31+$0xFFFFFFD0] =	vst v58  }
.Ltmp4:
0x3b: {  	[tilespmem:s31+$0xFFFFFFE0] =	vst v59;
	(pc) =	sbr.rel @p1 .LBB1_3-.Ltmp4, $4  }
0x3c: {  	[tilespmem:s31+$0xFFFFFFF0] =	vst v60  }
0x3d: {  	[tilespmem:s31+$0x0] =	vst v61  }
0x3e: {  	[tilespmem:s31+$0x10] =	vst v62  }
0x3f: {  	s10 =	sadd.s32 $0x80, s10;
	s11 =	sadd.s32 $0x400, s11;
	[tilespmem:s31+$0x20] =	vst v63  }
.Ltmp5:
0x40: {  	(pc) =	sbr.rel .LBB1_7-.Ltmp5, $4  }
0x41: {  	_ = 	snop  }
0x42: {  	s9 =	sshll.u32 s9, $0xB  }
0x43: {  	s9 =	sadd.s32 s3, s9  }
0x44: {  	[hbm4b:s9+s6] =	stream.linear.scatter [tilespmem:s12], [sflag:$0x2], $0x4000, $0x38;
	[tilespmem:$0x10000] =	vst v63  }
.LBB1_8:
0x45: {  	_ =	sfence.sel $0x180000  }
0x46: {  	s2 =	simm.s32 $0x1;
	[bflag:$0x0] =	sbarrier.arrive $0xFFFF  }
0x47: {  	s31 =	simm.s32 $0x2;
	[sflag:s2] =	ssyncpa.u1 $0x1  }
0x48: {  	[sflag:s31] =	ssyncpa.u1 $0x1  }
0x49: {  	p0 =	sne.s32 s1, $0x0;
	_ =	strace $0x90000047  }
0x4a: {  	s0 =	sadd.s32 @!p0 $0x100000, s0;
	[bflag:$0x2] =	sbarrier.arrive $0xFFFF  }
0x4b: {  	[sflag:s0] =	ssyncadd.tile.s32 @!p0 $0x1;
	_ =	shalt  }
.Lfunc_end1:
_tile_overlayer_lowered:
.L_overlay_start_2:
0x4c: {  	(tag) =	ssettag $0x2  }
0x4d: {  	s0 =	rddreg [dreg:$0x0];
	s2 =	stileid.u32  }
0x4e: {  	s1 =	rddreg [dreg:$0x1];
	p0 =	sne.s32 s2, $0x0  }
0x4f: {  	s3 =	rddreg [dreg:$0x2];
	[bflag:$0x3] =	sbarrier.arrive $0xFFFF;
	s2 =	simm.s32 @!p0 $0x1C01  }
0x50: {  	[timem:s3], [sflag:s2] =	dma.local @!p0 [hbm:s0], s1  }
0x51: {  	s0 =	simm.s32 @!p0 $0x1  }
0x52: {  	_ =	swait.ge @!p0 [sflag:s0], s1  }
0x53: {  	s1 =	ssub.s32 @!p0 $0x0, s1;
	[sflag:s0] =	ssyncset.done @!p0 $0x0  }
0x54: {  	[sflag:s0] =	ssyncadd.s32 @!p0 s1  }
0x55: {  	[bflag:$0x3] =	sbarrier.arrive $0xFFFF  }
0x56: {  	_ =	shalt  }

</sc_bundles>
